<compile_context>
chip_gen: v7x
topology: tpu7x:2x2x1
jax: 0.10.2.dev20260603
libtpu: 0.0.44.dev20260713+nightly
codegen_flags: <defaults>
</compile_context>

<pallas_src>
import jax
import jax.numpy as jnp
from jax import lax
from jax.experimental import pallas as pl
from jax.experimental.pallas import tpu as pltpu
from jax.experimental.pallas import tpu_sc as plsc

N = 16384
W = 200
D = 64
L = 16
NC, NS = 2, 16
NW = NC * NS
ROWS_PER_W = N // NW
CHUNK = 64
NCHUNK = ROWS_PER_W // CHUNK
WPAD = 208
G1 = 128
G2 = W - G1
NVD = D // L
NSLOT = 4


def _gather_start(table_hbm, idx_ref, j, rows_ref, sem_a, sem_b):
    pltpu.make_async_copy(
        table_hbm.at[idx_ref.at[j, pl.ds(0, G1)]],
        rows_ref.at[pl.ds(0, G1)], sem_a).start()
    pltpu.make_async_copy(
        table_hbm.at[idx_ref.at[j, pl.ds(G1, G2)]],
        rows_ref.at[pl.ds(G1, G2)], sem_b).start()


def _gather_wait(table_hbm, idx_ref, j, rows_ref, sem_a, sem_b):
    pltpu.make_async_copy(
        table_hbm.at[idx_ref.at[j, pl.ds(0, G1)]],
        rows_ref.at[pl.ds(0, G1)], sem_a).wait()
    pltpu.make_async_copy(
        table_hbm.at[idx_ref.at[j, pl.ds(G1, G2)]],
        rows_ref.at[pl.ds(G1, G2)], sem_b).wait()


def _reduce_row(rows_ref, out_ref, r):
    def body(w, accs):
        a = list(accs)
        for d in range(NVD):
            a[d] = a[d] + rows_ref[2 * w, pl.ds(d * L, L)]
        for d in range(NVD):
            a[NVD + d] = a[NVD + d] + rows_ref[2 * w + 1, pl.ds(d * L, L)]
        return tuple(a)

    z = jnp.zeros((L,), jnp.float32)
    accs = lax.fori_loop(0, W // 2, body, (z,) * (2 * NVD), unroll=4)
    scale = jnp.float32(1.0 / W)
    for d in range(NVD):
        out_ref[r, pl.ds(d * L, L)] = (accs[d] + accs[NVD + d]) * scale


def _sc_body(state_hbm, table_hbm, out_hbm, idx_buf, out_buf, *rest):
    rows = rest[:NSLOT]
    flat_sems = rest[NSLOT:]
    sems = tuple((flat_sems[2 * k], flat_sems[2 * k + 1])
                 for k in range(NSLOT))
    wid = lax.axis_index("s") * NC + lax.axis_index("c")
    base = wid * ROWS_PER_W

    def chunk_body(c, _):
        row0 = base + c * CHUNK
        pltpu.sync_copy(state_hbm.at[pl.ds(row0, CHUNK), pl.ds(0, W)],
                        idx_buf.at[pl.ds(0, CHUNK), pl.ds(0, W)])

        def plus1(j, _):
            for v in range(WPAD // L):
                sl = pl.ds(v * L, L)
                idx_buf[j, sl] = idx_buf[j, sl] + 1
            return 0
        lax.fori_loop(0, CHUNK, plus1, 0)

        for k in range(NSLOT):
            _gather_start(table_hbm, idx_buf, k, rows[k], *sems[k])

        def ring(i, _):
            for k in range(NSLOT):
                r = NSLOT * i + k
                _gather_wait(table_hbm, idx_buf, r, rows[k], *sems[k])
                @pl.when(i < CHUNK // NSLOT - 1)
                def _():
                    _gather_start(table_hbm, idx_buf, r + NSLOT, rows[k],
                                  *sems[k])
                _reduce_row(rows[k], out_buf, r)
            return 0
        lax.fori_loop(0, CHUNK // NSLOT, ring, 0)

        pltpu.sync_copy(out_buf, out_hbm.at[pl.ds(row0, CHUNK)])
        return 0

    lax.fori_loop(0, NCHUNK, chunk_body, 0)


def kernel(state, table):
    state2 = state.reshape(N, 2 * W).astype(jnp.int32)
    f = pl.kernel(
        _sc_body,
        out_type=jax.ShapeDtypeStruct((N, D), jnp.float32),
        mesh=plsc.VectorSubcoreMesh(core_axis_name="c", subcore_axis_name="s"),
        scratch_types=[
            pltpu.VMEM((CHUNK, WPAD), jnp.int32),
            pltpu.VMEM((CHUNK, D), jnp.float32),
        ] + [pltpu.VMEM((W, D), jnp.float32)] * NSLOT
          + [pltpu.SemaphoreType.DMA] * (2 * NSLOT),
        compiler_params=pltpu.CompilerParams(use_tc_tiling_on_sc=False),
    )
    return f(state2, table)

# --- scband reference (transcript-rebuilt; emitter-appended) ---
"""Pipeline reference for scband-user-model-45157286150424 (READ-ONLY COPY).

The authoritative reference and input builder live on the scoring server;
editing this copy changes nothing except your own understanding.
"""

import jax, jax.numpy as jnp
import numpy as np

NUM_CANDIDATES = 1000000
EMB_DIM = 64

def setup_inputs(seed: int = 0) -> dict:
    key = jax.random.key(seed)
    k_state, k_table = jax.random.split(key)
    state = jax.random.randint(k_state, (16384, 2, 200), 0, NUM_CANDIDATES, dtype=jnp.int64 if jax.config.read('jax_enable_x64') else jnp.int32)
    # embedding table of size num_candidates + 1 (row 0 effectively reserved for padding shift)
    table = jax.random.normal(k_table, (NUM_CANDIDATES + 1, EMB_DIM), dtype=jnp.float32)
    return {"state": state, "table": table}

def reference(state, table):
    # emb_p = self.item_emb(state[:, 0, :] + 1)  -> gather
    idx = state[:, 0, :] + 1            # (N, W)
    emb_p = jnp.take(table, idx, axis=0)  # (N, W, D)
    # aggregate == 'mean' over the window dimension
    emb = jnp.mean(emb_p, axis=1)        # (N, D)
    return emb

if __name__ == "__main__":
    import jax
    _d = setup_inputs()
    print(jax.jit(kernel)(*tuple(_d.values())))

</pallas_src>

<mosaic_0001>
#map = affine_map<(d0, d1) -> (0, 0)>
module attributes {stable_mosaic.version = 14 : i64} {
  func.func @_sc_body(%arg0: i32, %arg1: i32, %arg2: memref<16384x400xi32, #tpu.memory_space<hbm>>, %arg3: memref<1000001x64xf32, #tpu.memory_space<hbm>>, %arg4: memref<16384x64xf32, #tpu.memory_space<hbm>>, %arg5: memref<64x208xi32, #tpu.memory_space<vmem>>, %arg6: memref<64x64xf32, #tpu.memory_space<vmem>>, %arg7: memref<200x64xf32, #tpu.memory_space<vmem>>, %arg8: memref<200x64xf32, #tpu.memory_space<vmem>>, %arg9: memref<200x64xf32, #tpu.memory_space<vmem>>, %arg10: memref<200x64xf32, #tpu.memory_space<vmem>>, %arg11: memref<!tpu.dma_semaphore, #tpu.memory_space<semaphore_mem>>, %arg12: memref<!tpu.dma_semaphore, #tpu.memory_space<semaphore_mem>>, %arg13: memref<!tpu.dma_semaphore, #tpu.memory_space<semaphore_mem>>, %arg14: memref<!tpu.dma_semaphore, #tpu.memory_space<semaphore_mem>>, %arg15: memref<!tpu.dma_semaphore, #tpu.memory_space<semaphore_mem>>, %arg16: memref<!tpu.dma_semaphore, #tpu.memory_space<semaphore_mem>>, %arg17: memref<!tpu.dma_semaphore, #tpu.memory_space<semaphore_mem>>, %arg18: memref<!tpu.dma_semaphore, #tpu.memory_space<semaphore_mem>>) attributes {dimension_semantics = [#tpu.dimension_semantics<core_parallel>, #tpu.dimension_semantics<subcore_parallel>], iteration_bounds = array<i64: 2, 16>, scalar_prefetch = 0 : i64, scratch_operands = 14 : i64, tpu.core_type = #tpu.core_type<sc_vector_subcore>, window_params = [{transform_indices = #map}, {transform_indices = #map}, {transform_indices = #map}]} {
    %mul3A = arith.constant 2 : i32
    %mul3A_0 = arith.muli %arg1, %mul3A : i32
    %add3A = arith.addi %mul3A_0, %arg0 : i32
    %mul3A_1 = arith.constant 512 : i32
    %mul3A_2 = arith.muli %add3A, %mul3A_1 : i32
    %scan3A = arith.constant 0 : i32
    %scan3A_3 = arith.constant 0 : i32
    %scan3A_4 = arith.constant 8 : i32
    %scan3A_5 = arith.addi %scan3A_3, %scan3A_4 : i32
    %scan3A_6 = arith.constant 1 : i32
    %scan3A_7 = scf.for %scan3A_9 = %scan3A_3 to %scan3A_5 step %scan3A_6 iter_args(%scan3A_10 = %scan3A) -> (i32)  : i32 {
      %mul3A_11 = arith.constant 64 : i32
      %mul3A_12 = arith.muli %scan3A_9, %mul3A_11 : i32
      %add3A_13 = arith.addi %mul3A_2, %mul3A_12 : i32
      "tpu.region"() ({
        %run_scoped3A = tpu.sem_alloc : memref<!tpu.dma_semaphore, #tpu.memory_space<semaphore_mem>>
        %dma_start3A_108 = arith.constant 0 : i32
        %dma_start3A_109 = arith.constant 0 : i32
        %dma_start3A_110 = tpu.memref_slice %arg5[%dma_start3A_108, %dma_start3A_109] : memref<64x208xi32, #tpu.memory_space<vmem>> -> memref<64x200xi32, #tpu.memory_space<vmem>>
        %dma_start3A_111 = arith.constant 0 : i32
        %dma_start3A_112 = tpu.memref_slice %arg2[%add3A_13, %dma_start3A_111] : memref<16384x400xi32, #tpu.memory_space<hbm>> -> memref<64x200xi32, #tpu.memory_space<hbm>>
        %dma_start3A_113 = arith.constant 0 : i32
        %dma_start3A_114 = arith.constant 0 : i32
        %dma_start3A_115 = tpu.memref_slice %arg5[%dma_start3A_113, %dma_start3A_114] : memref<64x208xi32, #tpu.memory_space<vmem>> -> memref<64x200xi32, #tpu.memory_space<vmem>>
        %dma_start3A_116 = arith.constant 0 : i32
        %dma_start3A_117 = tpu.memref_slice %arg2[%add3A_13, %dma_start3A_116] : memref<16384x400xi32, #tpu.memory_space<hbm>> -> memref<64x200xi32, #tpu.memory_space<hbm>>
        tpu.enqueue_dma source(%dma_start3A_117 : memref<64x200xi32, #tpu.memory_space<hbm>>) target(%dma_start3A_115 : memref<64x200xi32, #tpu.memory_space<vmem>>) target_semaphore(%run_scoped3A : memref<!tpu.dma_semaphore, #tpu.memory_space<semaphore_mem>>)
        %dma_wait3A = arith.constant 0 : i32
        %dma_wait3A_118 = arith.constant 0 : i32
        %dma_wait3A_119 = tpu.memref_slice %arg5[%dma_wait3A, %dma_wait3A_118] : memref<64x208xi32, #tpu.memory_space<vmem>> -> memref<64x200xi32, #tpu.memory_space<vmem>>
        %dma_wait3A_120 = arith.constant 0 : i32
        %dma_wait3A_121 = tpu.memref_slice %arg2[%add3A_13, %dma_wait3A_120] : memref<16384x400xi32, #tpu.memory_space<hbm>> -> memref<64x200xi32, #tpu.memory_space<hbm>>
        %dma_wait3A_122 = arith.constant 0 : i32
        %dma_wait3A_123 = arith.constant 0 : i32
        %dma_wait3A_124 = tpu.memref_slice %arg5[%dma_wait3A_122, %dma_wait3A_123] : memref<64x208xi32, #tpu.memory_space<vmem>> -> memref<64x200xi32, #tpu.memory_space<vmem>>
        %dma_wait3A_125 = arith.constant 0 : i32
        %dma_wait3A_126 = tpu.memref_slice %arg2[%add3A_13, %dma_wait3A_125] : memref<16384x400xi32, #tpu.memory_space<hbm>> -> memref<64x200xi32, #tpu.memory_space<hbm>>
        tpu.wait_dma2 semaphore(%run_scoped3A : memref<!tpu.dma_semaphore, #tpu.memory_space<semaphore_mem>>) src(%dma_wait3A_126 : memref<64x200xi32, #tpu.memory_space<hbm>>) dst(%dma_wait3A_124 : memref<64x200xi32, #tpu.memory_space<vmem>>)
        tpu.yield
      }) : () -> ()
      %scan3A_14 = arith.constant 0 : i32
      %scan3A_15 = arith.constant 0 : i32
      %scan3A_16 = arith.constant 64 : i32
      %scan3A_17 = arith.addi %scan3A_15, %scan3A_16 : i32
      %scan3A_18 = arith.constant 1 : i32
      %scan3A_19 = scf.for %scan3A_108 = %scan3A_15 to %scan3A_17 step %scan3A_18 iter_args(%scan3A_109 = %scan3A_14) -> (i32)  : i32 {
        %get3A = arith.index_cast %scan3A_108 : i32 to index
        %get3A_110 = arith.constant 0 : index
        %get3A_111 = tpu.vector_load %arg5[%get3A, %get3A_110] {strides = array<i32>} : memref<64x208xi32, #tpu.memory_space<vmem>>, vector<1x16xi32>,
        %get3A_112 = vector.shape_cast %get3A_111 : vector<1x16xi32> to vector<16xi32>
        %add3A_113 = arith.constant 1 : i32
        %add3A_114 = vector.broadcast %add3A_113 : i32 to vector<16xi32>
        %add3A_115 = arith.addi %get3A_112, %add3A_114 : vector<16xi32>
        %swap3A = arith.index_cast %scan3A_108 : i32 to index
        %swap3A_116 = arith.constant 0 : index
        %swap3A_117 = tpu.vector_load %arg5[%swap3A, %swap3A_116] {strides = array<i32>} : memref<64x208xi32, #tpu.memory_space<vmem>>, vector<1x16xi32>,
        %swap3A_118 = vector.shape_cast %swap3A_117 : vector<1x16xi32> to vector<16xi32>
        %swap3A_119 = vector.shape_cast %add3A_115 : vector<16xi32> to vector<1x16xi32>
        tpu.vector_store %arg5[%swap3A, %swap3A_116], %swap3A_119 {strides = array<i32>} : memref<64x208xi32, #tpu.memory_space<vmem>>, vector<1x16xi32>,
        %get3A_120 = arith.index_cast %scan3A_108 : i32 to index
        %get3A_121 = arith.constant 16 : index
        %get3A_122 = tpu.vector_load %arg5[%get3A_120, %get3A_121] {strides = array<i32>} : memref<64x208xi32, #tpu.memory_space<vmem>>, vector<1x16xi32>,
        %get3A_123 = vector.shape_cast %get3A_122 : vector<1x16xi32> to vector<16xi32>
        %add3A_124 = arith.constant 1 : i32
        %add3A_125 = vector.broadcast %add3A_124 : i32 to vector<16xi32>
        %add3A_126 = arith.addi %get3A_123, %add3A_125 : vector<16xi32>
        %swap3A_127 = arith.index_cast %scan3A_108 : i32 to index
        %swap3A_128 = arith.constant 16 : index
        %swap3A_129 = tpu.vector_load %arg5[%swap3A_127, %swap3A_128] {strides = array<i32>} : memref<64x208xi32, #tpu.memory_space<vmem>>, vector<1x16xi32>,
        %swap3A_130 = vector.shape_cast %swap3A_129 : vector<1x16xi32> to vector<16xi32>
        %swap3A_131 = vector.shape_cast %add3A_126 : vector<16xi32> to vector<1x16xi32>
        tpu.vector_store %arg5[%swap3A_127, %swap3A_128], %swap3A_131 {strides = array<i32>} : memref<64x208xi32, #tpu.memory_space<vmem>>, vector<1x16xi32>,
        %get3A_132 = arith.index_cast %scan3A_108 : i32 to index
        %get3A_133 = arith.constant 32 : index
        %get3A_134 = tpu.vector_load %arg5[%get3A_132, %get3A_133] {strides = array<i32>} : memref<64x208xi32, #tpu.memory_space<vmem>>, vector<1x16xi32>,
        %get3A_135 = vector.shape_cast %get3A_134 : vector<1x16xi32> to vector<16xi32>
        %add3A_136 = arith.constant 1 : i32
        %add3A_137 = vector.broadcast %add3A_136 : i32 to vector<16xi32>
        %add3A_138 = arith.addi %get3A_135, %add3A_137 : vector<16xi32>
        %swap3A_139 = arith.index_cast %scan3A_108 : i32 to index
        %swap3A_140 = arith.constant 32 : index
        %swap3A_141 = tpu.vector_load %arg5[%swap3A_139, %swap3A_140] {strides = array<i32>} : memref<64x208xi32, #tpu.memory_space<vmem>>, vector<1x16xi32>,
        %swap3A_142 = vector.shape_cast %swap3A_141 : vector<1x16xi32> to vector<16xi32>
        %swap3A_143 = vector.shape_cast %add3A_138 : vector<16xi32> to vector<1x16xi32>
        tpu.vector_store %arg5[%swap3A_139, %swap3A_140], %swap3A_143 {strides = array<i32>} : memref<64x208xi32, #tpu.memory_space<vmem>>, vector<1x16xi32>,
        %get3A_144 = arith.index_cast %scan3A_108 : i32 to index
        %get3A_145 = arith.constant 48 : index
        %get3A_146 = tpu.vector_load %arg5[%get3A_144, %get3A_145] {strides = array<i32>} : memref<64x208xi32, #tpu.memory_space<vmem>>, vector<1x16xi32>,
        %get3A_147 = vector.shape_cast %get3A_146 : vector<1x16xi32> to vector<16xi32>
        %add3A_148 = arith.constant 1 : i32
        %add3A_149 = vector.broadcast %add3A_148 : i32 to vector<16xi32>
        %add3A_150 = arith.addi %get3A_147, %add3A_149 : vector<16xi32>
        %swap3A_151 = arith.index_cast %scan3A_108 : i32 to index
        %swap3A_152 = arith.constant 48 : index
        %swap3A_153 = tpu.vector_load %arg5[%swap3A_151, %swap3A_152] {strides = array<i32>} : memref<64x208xi32, #tpu.memory_space<vmem>>, vector<1x16xi32>,
        %swap3A_154 = vector.shape_cast %swap3A_153 : vector<1x16xi32> to vector<16xi32>
        %swap3A_155 = vector.shape_cast %add3A_150 : vector<16xi32> to vector<1x16xi32>
        tpu.vector_store %arg5[%swap3A_151, %swap3A_152], %swap3A_155 {strides = array<i32>} : memref<64x208xi32, #tpu.memory_space<vmem>>, vector<1x16xi32>,
        %get3A_156 = arith.index_cast %scan3A_108 : i32 to index
        %get3A_157 = arith.constant 64 : index
        %get3A_158 = tpu.vector_load %arg5[%get3A_156, %get3A_157] {strides = array<i32>} : memref<64x208xi32, #tpu.memory_space<vmem>>, vector<1x16xi32>,
        %get3A_159 = vector.shape_cast %get3A_158 : vector<1x16xi32> to vector<16xi32>
        %add3A_160 = arith.constant 1 : i32
        %add3A_161 = vector.broadcast %add3A_160 : i32 to vector<16xi32>
        %add3A_162 = arith.addi %get3A_159, %add3A_161 : vector<16xi32>
        %swap3A_163 = arith.index_cast %scan3A_108 : i32 to index
        %swap3A_164 = arith.constant 64 : index
        %swap3A_165 = tpu.vector_load %arg5[%swap3A_163, %swap3A_164] {strides = array<i32>} : memref<64x208xi32, #tpu.memory_space<vmem>>, vector<1x16xi32>,
        %swap3A_166 = vector.shape_cast %swap3A_165 : vector<1x16xi32> to vector<16xi32>
        %swap3A_167 = vector.shape_cast %add3A_162 : vector<16xi32> to vector<1x16xi32>
        tpu.vector_store %arg5[%swap3A_163, %swap3A_164], %swap3A_167 {strides = array<i32>} : memref<64x208xi32, #tpu.memory_space<vmem>>, vector<1x16xi32>,
        %get3A_168 = arith.index_cast %scan3A_108 : i32 to index
        %get3A_169 = arith.constant 80 : index
        %get3A_170 = tpu.vector_load %arg5[%get3A_168, %get3A_169] {strides = array<i32>} : memref<64x208xi32, #tpu.memory_space<vmem>>, vector<1x16xi32>,
        %get3A_171 = vector.shape_cast %get3A_170 : vector<1x16xi32> to vector<16xi32>
        %add3A_172 = arith.constant 1 : i32
        %add3A_173 = vector.broadcast %add3A_172 : i32 to vector<16xi32>
        %add3A_174 = arith.addi %get3A_171, %add3A_173 : vector<16xi32>
        %swap3A_175 = arith.index_cast %scan3A_108 : i32 to index
        %swap3A_176 = arith.constant 80 : index
        %swap3A_177 = tpu.vector_load %arg5[%swap3A_175, %swap3A_176] {strides = array<i32>} : memref<64x208xi32, #tpu.memory_space<vmem>>, vector<1x16xi32>,
        %swap3A_178 = vector.shape_cast %swap3A_177 : vector<1x16xi32> to vector<16xi32>
        %swap3A_179 = vector.shape_cast %add3A_174 : vector<16xi32> to vector<1x16xi32>
        tpu.vector_store %arg5[%swap3A_175, %swap3A_176], %swap3A_179 {strides = array<i32>} : memref<64x208xi32, #tpu.memory_space<vmem>>, vector<1x16xi32>,
        %get3A_180 = arith.index_cast %scan3A_108 : i32 to index
        %get3A_181 = arith.constant 96 : index
        %get3A_182 = tpu.vector_load %arg5[%get3A_180, %get3A_181] {strides = array<i32>} : memref<64x208xi32, #tpu.memory_space<vmem>>, vector<1x16xi32>,
        %get3A_183 = vector.shape_cast %get3A_182 : vector<1x16xi32> to vector<16xi32>
        %add3A_184 = arith.constant 1 : i32
        %add3A_185 = vector.broadcast %add3A_184 : i32 to vector<16xi32>
        %add3A_186 = arith.addi %get3A_183, %add3A_185 : vector<16xi32>
        %swap3A_187 = arith.index_cast %scan3A_108 : i32 to index
        %swap3A_188 = arith.constant 96 : index
        %swap3A_189 = tpu.vector_load %arg5[%swap3A_187, %swap3A_188] {strides = array<i32>} : memref<64x208xi32, #tpu.memory_space<vmem>>, vector<1x16xi32>,
        %swap3A_190 = vector.shape_cast %swap3A_189 : vector<1x16xi32> to vector<16xi32>
        %swap3A_191 = vector.shape_cast %add3A_186 : vector<16xi32> to vector<1x16xi32>
        tpu.vector_store %arg5[%swap3A_187, %swap3A_188], %swap3A_191 {strides = array<i32>} : memref<64x208xi32, #tpu.memory_space<vmem>>, vector<1x16xi32>,
        %get3A_192 = arith.index_cast %scan3A_108 : i32 to index
        %get3A_193 = arith.constant 112 : index
        %get3A_194 = tpu.vector_load %arg5[%get3A_192, %get3A_193] {strides = array<i32>} : memref<64x208xi32, #tpu.memory_space<vmem>>, vector<1x16xi32>,
        %get3A_195 = vector.shape_cast %get3A_194 : vector<1x16xi32> to vector<16xi32>
        %add3A_196 = arith.constant 1 : i32
        %add3A_197 = vector.broadcast %add3A_196 : i32 to vector<16xi32>
        %add3A_198 = arith.addi %get3A_195, %add3A_197 : vector<16xi32>
        %swap3A_199 = arith.index_cast %scan3A_108 : i32 to index
        %swap3A_200 = arith.constant 112 : index
        %swap3A_201 = tpu.vector_load %arg5[%swap3A_199, %swap3A_200] {strides = array<i32>} : memref<64x208xi32, #tpu.memory_space<vmem>>, vector<1x16xi32>,
        %swap3A_202 = vector.shape_cast %swap3A_201 : vector<1x16xi32> to vector<16xi32>
        %swap3A_203 = vector.shape_cast %add3A_198 : vector<16xi32> to vector<1x16xi32>
        tpu.vector_store %arg5[%swap3A_199, %swap3A_200], %swap3A_203 {strides = array<i32>} : memref<64x208xi32, #tpu.memory_space<vmem>>, vector<1x16xi32>,
        %get3A_204 = arith.index_cast %scan3A_108 : i32 to index
        %get3A_205 = arith.constant 128 : index
        %get3A_206 = tpu.vector_load %arg5[%get3A_204, %get3A_205] {strides = array<i32>} : memref<64x208xi32, #tpu.memory_space<vmem>>, vector<1x16xi32>,
        %get3A_207 = vector.shape_cast %get3A_206 : vector<1x16xi32> to vector<16xi32>
        %add3A_208 = arith.constant 1 : i32
        %add3A_209 = vector.broadcast %add3A_208 : i32 to vector<16xi32>
        %add3A_210 = arith.addi %get3A_207, %add3A_209 : vector<16xi32>
        %swap3A_211 = arith.index_cast %scan3A_108 : i32 to index
        %swap3A_212 = arith.constant 128 : index
        %swap3A_213 = tpu.vector_load %arg5[%swap3A_211, %swap3A_212] {strides = array<i32>} : memref<64x208xi32, #tpu.memory_space<vmem>>, vector<1x16xi32>,
        %swap3A_214 = vector.shape_cast %swap3A_213 : vector<1x16xi32> to vector<16xi32>
        %swap3A_215 = vector.shape_cast %add3A_210 : vector<16xi32> to vector<1x16xi32>
        tpu.vector_store %arg5[%swap3A_211, %swap3A_212], %swap3A_215 {strides = array<i32>} : memref<64x208xi32, #tpu.memory_space<vmem>>, vector<1x16xi32>,
        %get3A_216 = arith.index_cast %scan3A_108 : i32 to index
        %get3A_217 = arith.constant 144 : index
        %get3A_218 = tpu.vector_load %arg5[%get3A_216, %get3A_217] {strides = array<i32>} : memref<64x208xi32, #tpu.memory_space<vmem>>, vector<1x16xi32>,
        %get3A_219 = vector.shape_cast %get3A_218 : vector<1x16xi32> to vector<16xi32>
        %add3A_220 = arith.constant 1 : i32
        %add3A_221 = vector.broadcast %add3A_220 : i32 to vector<16xi32>
        %add3A_222 = arith.addi %get3A_219, %add3A_221 : vector<16xi32>
        %swap3A_223 = arith.index_cast %scan3A_108 : i32 to index
        %swap3A_224 = arith.constant 144 : index
        %swap3A_225 = tpu.vector_load %arg5[%swap3A_223, %swap3A_224] {strides = array<i32>} : memref<64x208xi32, #tpu.memory_space<vmem>>, vector<1x16xi32>,
        %swap3A_226 = vector.shape_cast %swap3A_225 : vector<1x16xi32> to vector<16xi32>
        %swap3A_227 = vector.shape_cast %add3A_222 : vector<16xi32> to vector<1x16xi32>
        tpu.vector_store %arg5[%swap3A_223, %swap3A_224], %swap3A_227 {strides = array<i32>} : memref<64x208xi32, #tpu.memory_space<vmem>>, vector<1x16xi32>,
        %get3A_228 = arith.index_cast %scan3A_108 : i32 to index
        %get3A_229 = arith.constant 160 : index
        %get3A_230 = tpu.vector_load %arg5[%get3A_228, %get3A_229] {strides = array<i32>} : memref<64x208xi32, #tpu.memory_space<vmem>>, vector<1x16xi32>,
        %get3A_231 = vector.shape_cast %get3A_230 : vector<1x16xi32> to vector<16xi32>
        %add3A_232 = arith.constant 1 : i32
        %add3A_233 = vector.broadcast %add3A_232 : i32 to vector<16xi32>
        %add3A_234 = arith.addi %get3A_231, %add3A_233 : vector<16xi32>
        %swap3A_235 = arith.index_cast %scan3A_108 : i32 to index
        %swap3A_236 = arith.constant 160 : index
        %swap3A_237 = tpu.vector_load %arg5[%swap3A_235, %swap3A_236] {strides = array<i32>} : memref<64x208xi32, #tpu.memory_space<vmem>>, vector<1x16xi32>,
        %swap3A_238 = vector.shape_cast %swap3A_237 : vector<1x16xi32> to vector<16xi32>
        %swap3A_239 = vector.shape_cast %add3A_234 : vector<16xi32> to vector<1x16xi32>
        tpu.vector_store %arg5[%swap3A_235, %swap3A_236], %swap3A_239 {strides = array<i32>} : memref<64x208xi32, #tpu.memory_space<vmem>>, vector<1x16xi32>,
        %get3A_240 = arith.index_cast %scan3A_108 : i32 to index
        %get3A_241 = arith.constant 176 : index
        %get3A_242 = tpu.vector_load %arg5[%get3A_240, %get3A_241] {strides = array<i32>} : memref<64x208xi32, #tpu.memory_space<vmem>>, vector<1x16xi32>,
        %get3A_243 = vector.shape_cast %get3A_242 : vector<1x16xi32> to vector<16xi32>
        %add3A_244 = arith.constant 1 : i32
        %add3A_245 = vector.broadcast %add3A_244 : i32 to vector<16xi32>
        %add3A_246 = arith.addi %get3A_243, %add3A_245 : vector<16xi32>
        %swap3A_247 = arith.index_cast %scan3A_108 : i32 to index
        %swap3A_248 = arith.constant 176 : index
        %swap3A_249 = tpu.vector_load %arg5[%swap3A_247, %swap3A_248] {strides = array<i32>} : memref<64x208xi32, #tpu.memory_space<vmem>>, vector<1x16xi32>,
        %swap3A_250 = vector.shape_cast %swap3A_249 : vector<1x16xi32> to vector<16xi32>
        %swap3A_251 = vector.shape_cast %add3A_246 : vector<16xi32> to vector<1x16xi32>
        tpu.vector_store %arg5[%swap3A_247, %swap3A_248], %swap3A_251 {strides = array<i32>} : memref<64x208xi32, #tpu.memory_space<vmem>>, vector<1x16xi32>,
        %get3A_252 = arith.index_cast %scan3A_108 : i32 to index
        %get3A_253 = arith.constant 192 : index
        %get3A_254 = tpu.vector_load %arg5[%get3A_252, %get3A_253] {strides = array<i32>} : memref<64x208xi32, #tpu.memory_space<vmem>>, vector<1x16xi32>,
        %get3A_255 = vector.shape_cast %get3A_254 : vector<1x16xi32> to vector<16xi32>
        %add3A_256 = arith.constant 1 : i32
        %add3A_257 = vector.broadcast %add3A_256 : i32 to vector<16xi32>
        %add3A_258 = arith.addi %get3A_255, %add3A_257 : vector<16xi32>
        %swap3A_259 = arith.index_cast %scan3A_108 : i32 to index
        %swap3A_260 = arith.constant 192 : index
        %swap3A_261 = tpu.vector_load %arg5[%swap3A_259, %swap3A_260] {strides = array<i32>} : memref<64x208xi32, #tpu.memory_space<vmem>>, vector<1x16xi32>,
        %swap3A_262 = vector.shape_cast %swap3A_261 : vector<1x16xi32> to vector<16xi32>
        %swap3A_263 = vector.shape_cast %add3A_258 : vector<16xi32> to vector<1x16xi32>
        tpu.vector_store %arg5[%swap3A_259, %swap3A_260], %swap3A_263 {strides = array<i32>} : memref<64x208xi32, #tpu.memory_space<vmem>>, vector<1x16xi32>,
        %scan3A_264 = arith.constant 0 : i32
        scf.yield %scan3A_264 : i32
      }
      %scan3A_20 = arith.constant 64 : i32
      %dma_start3A = arith.constant 0 : i32
      %dma_start3A_21 = arith.constant 0 : i32
      %dma_start3A_22 = arith.constant 0 : i32
      %dma_start3A_23 = tpu.memref_slice %arg7[%dma_start3A_21, %dma_start3A_22] : memref<200x64xf32, #tpu.memory_space<vmem>> -> memref<128x64xf32, #tpu.memory_space<vmem>>
      %dma_start3A_24 = arith.constant 0 : i32
      %dma_start3A_25 = tpu.memref_slice %arg5[%dma_start3A, %dma_start3A_24] : memref<64x208xi32, #tpu.memory_space<vmem>> -> memref<1x128xi32, #tpu.memory_space<vmem>>
      %dma_start3A_26 = tpu.memref_squeeze %dma_start3A_25 : memref<1x128xi32, #tpu.memory_space<vmem>> -> memref<128xi32, #tpu.memory_space<vmem>>
      %dma_start3A_27 = arith.constant 0 : i32
      %dma_start3A_28 = arith.constant 0 : i32
      %dma_start3A_29 = tpu.memref_slice %arg3[%dma_start3A_27, %dma_start3A_28] : memref<1000001x64xf32, #tpu.memory_space<hbm>> -> memref<1000001x64xf32, #tpu.memory_space<hbm>>
      tpu.enqueue_indirect_dma source(%dma_start3A_29 : memref<1000001x64xf32, #tpu.memory_space<hbm>>) target(%dma_start3A_23 : memref<128x64xf32, #tpu.memory_space<vmem>>) offsets(%dma_start3A_26 : memref<128xi32, #tpu.memory_space<vmem>>) semaphore(%arg11 : memref<!tpu.dma_semaphore, #tpu.memory_space<semaphore_mem>>)
      %dma_start3A_30 = arith.constant 0 : i32
      %dma_start3A_31 = arith.constant 128 : i32
      %dma_start3A_32 = arith.constant 0 : i32
      %dma_start3A_33 = tpu.memref_slice %arg7[%dma_start3A_31, %dma_start3A_32] : memref<200x64xf32, #tpu.memory_space<vmem>> -> memref<72x64xf32, #tpu.memory_space<vmem>>
      %dma_start3A_34 = arith.constant 128 : i32
      %dma_start3A_35 = tpu.memref_slice %arg5[%dma_start3A_30, %dma_start3A_34] : memref<64x208xi32, #tpu.memory_space<vmem>> -> memref<1x72xi32, #tpu.memory_space<vmem>>
      %dma_start3A_36 = tpu.memref_squeeze %dma_start3A_35 : memref<1x72xi32, #tpu.memory_space<vmem>> -> memref<72xi32, #tpu.memory_space<vmem>>
      %dma_start3A_37 = arith.constant 0 : i32
      %dma_start3A_38 = arith.constant 0 : i32
      %dma_start3A_39 = tpu.memref_slice %arg3[%dma_start3A_37, %dma_start3A_38] : memref<1000001x64xf32, #tpu.memory_space<hbm>> -> memref<1000001x64xf32, #tpu.memory_space<hbm>>
      tpu.enqueue_indirect_dma source(%dma_start3A_39 : memref<1000001x64xf32, #tpu.memory_space<hbm>>) target(%dma_start3A_33 : memref<72x64xf32, #tpu.memory_space<vmem>>) offsets(%dma_start3A_36 : memref<72xi32, #tpu.memory_space<vmem>>) semaphore(%arg12 : memref<!tpu.dma_semaphore, #tpu.memory_space<semaphore_mem>>)
      %dma_start3A_40 = arith.constant 1 : i32
      %dma_start3A_41 = arith.constant 0 : i32
      %dma_start3A_42 = arith.constant 0 : i32
      %dma_start3A_43 = tpu.memref_slice %arg8[%dma_start3A_41, %dma_start3A_42] : memref<200x64xf32, #tpu.memory_space<vmem>> -> memref<128x64xf32, #tpu.memory_space<vmem>>
      %dma_start3A_44 = arith.constant 0 : i32
      %dma_start3A_45 = tpu.memref_slice %arg5[%dma_start3A_40, %dma_start3A_44] : memref<64x208xi32, #tpu.memory_space<vmem>> -> memref<1x128xi32, #tpu.memory_space<vmem>>
      %dma_start3A_46 = tpu.memref_squeeze %dma_start3A_45 : memref<1x128xi32, #tpu.memory_space<vmem>> -> memref<128xi32, #tpu.memory_space<vmem>>
      %dma_start3A_47 = arith.constant 0 : i32
      %dma_start3A_48 = arith.constant 0 : i32
      %dma_start3A_49 = tpu.memref_slice %arg3[%dma_start3A_47, %dma_start3A_48] : memref<1000001x64xf32, #tpu.memory_space<hbm>> -> memref<1000001x64xf32, #tpu.memory_space<hbm>>
      tpu.enqueue_indirect_dma source(%dma_start3A_49 : memref<1000001x64xf32, #tpu.memory_space<hbm>>) target(%dma_start3A_43 : memref<128x64xf32, #tpu.memory_space<vmem>>) offsets(%dma_start3A_46 : memref<128xi32, #tpu.memory_space<vmem>>) semaphore(%arg13 : memref<!tpu.dma_semaphore, #tpu.memory_space<semaphore_mem>>)
      %dma_start3A_50 = arith.constant 1 : i32
      %dma_start3A_51 = arith.constant 128 : i32
      %dma_start3A_52 = arith.constant 0 : i32
      %dma_start3A_53 = tpu.memref_slice %arg8[%dma_start3A_51, %dma_start3A_52] : memref<200x64xf32, #tpu.memory_space<vmem>> -> memref<72x64xf32, #tpu.memory_space<vmem>>
      %dma_start3A_54 = arith.constant 128 : i32
      %dma_start3A_55 = tpu.memref_slice %arg5[%dma_start3A_50, %dma_start3A_54] : memref<64x208xi32, #tpu.memory_space<vmem>> -> memref<1x72xi32, #tpu.memory_space<vmem>>
      %dma_start3A_56 = tpu.memref_squeeze %dma_start3A_55 : memref<1x72xi32, #tpu.memory_space<vmem>> -> memref<72xi32, #tpu.memory_space<vmem>>
      %dma_start3A_57 = arith.constant 0 : i32
      %dma_start3A_58 = arith.constant 0 : i32
      %dma_start3A_59 = tpu.memref_slice %arg3[%dma_start3A_57, %dma_start3A_58] : memref<1000001x64xf32, #tpu.memory_space<hbm>> -> memref<1000001x64xf32, #tpu.memory_space<hbm>>
      tpu.enqueue_indirect_dma source(%dma_start3A_59 : memref<1000001x64xf32, #tpu.memory_space<hbm>>) target(%dma_start3A_53 : memref<72x64xf32, #tpu.memory_space<vmem>>) offsets(%dma_start3A_56 : memref<72xi32, #tpu.memory_space<vmem>>) semaphore(%arg14 : memref<!tpu.dma_semaphore, #tpu.memory_space<semaphore_mem>>)
      %dma_start3A_60 = arith.constant 2 : i32
      %dma_start3A_61 = arith.constant 0 : i32
      %dma_start3A_62 = arith.constant 0 : i32
      %dma_start3A_63 = tpu.memref_slice %arg9[%dma_start3A_61, %dma_start3A_62] : memref<200x64xf32, #tpu.memory_space<vmem>> -> memref<128x64xf32, #tpu.memory_space<vmem>>
      %dma_start3A_64 = arith.constant 0 : i32
      %dma_start3A_65 = tpu.memref_slice %arg5[%dma_start3A_60, %dma_start3A_64] : memref<64x208xi32, #tpu.memory_space<vmem>> -> memref<1x128xi32, #tpu.memory_space<vmem>>
      %dma_start3A_66 = tpu.memref_squeeze %dma_start3A_65 : memref<1x128xi32, #tpu.memory_space<vmem>> -> memref<128xi32, #tpu.memory_space<vmem>>
      %dma_start3A_67 = arith.constant 0 : i32
      %dma_start3A_68 = arith.constant 0 : i32
      %dma_start3A_69 = tpu.memref_slice %arg3[%dma_start3A_67, %dma_start3A_68] : memref<1000001x64xf32, #tpu.memory_space<hbm>> -> memref<1000001x64xf32, #tpu.memory_space<hbm>>
      tpu.enqueue_indirect_dma source(%dma_start3A_69 : memref<1000001x64xf32, #tpu.memory_space<hbm>>) target(%dma_start3A_63 : memref<128x64xf32, #tpu.memory_space<vmem>>) offsets(%dma_start3A_66 : memref<128xi32, #tpu.memory_space<vmem>>) semaphore(%arg15 : memref<!tpu.dma_semaphore, #tpu.memory_space<semaphore_mem>>)
      %dma_start3A_70 = arith.constant 2 : i32
      %dma_start3A_71 = arith.constant 128 : i32
      %dma_start3A_72 = arith.constant 0 : i32
      %dma_start3A_73 = tpu.memref_slice %arg9[%dma_start3A_71, %dma_start3A_72] : memref<200x64xf32, #tpu.memory_space<vmem>> -> memref<72x64xf32, #tpu.memory_space<vmem>>
      %dma_start3A_74 = arith.constant 128 : i32
      %dma_start3A_75 = tpu.memref_slice %arg5[%dma_start3A_70, %dma_start3A_74] : memref<64x208xi32, #tpu.memory_space<vmem>> -> memref<1x72xi32, #tpu.memory_space<vmem>>
      %dma_start3A_76 = tpu.memref_squeeze %dma_start3A_75 : memref<1x72xi32, #tpu.memory_space<vmem>> -> memref<72xi32, #tpu.memory_space<vmem>>
      %dma_start3A_77 = arith.constant 0 : i32
      %dma_start3A_78 = arith.constant 0 : i32
      %dma_start3A_79 = tpu.memref_slice %arg3[%dma_start3A_77, %dma_start3A_78] : memref<1000001x64xf32, #tpu.memory_space<hbm>> -> memref<1000001x64xf32, #tpu.memory_space<hbm>>
      tpu.enqueue_indirect_dma source(%dma_start3A_79 : memref<1000001x64xf32, #tpu.memory_space<hbm>>) target(%dma_start3A_73 : memref<72x64xf32, #tpu.memory_space<vmem>>) offsets(%dma_start3A_76 : memref<72xi32, #tpu.memory_space<vmem>>) semaphore(%arg16 : memref<!tpu.dma_semaphore, #tpu.memory_space<semaphore_mem>>)
      %dma_start3A_80 = arith.constant 3 : i32
      %dma_start3A_81 = arith.constant 0 : i32
      %dma_start3A_82 = arith.constant 0 : i32
      %dma_start3A_83 = tpu.memref_slice %arg10[%dma_start3A_81, %dma_start3A_82] : memref<200x64xf32, #tpu.memory_space<vmem>> -> memref<128x64xf32, #tpu.memory_space<vmem>>
      %dma_start3A_84 = arith.constant 0 : i32
      %dma_start3A_85 = tpu.memref_slice %arg5[%dma_start3A_80, %dma_start3A_84] : memref<64x208xi32, #tpu.memory_space<vmem>> -> memref<1x128xi32, #tpu.memory_space<vmem>>
      %dma_start3A_86 = tpu.memref_squeeze %dma_start3A_85 : memref<1x128xi32, #tpu.memory_space<vmem>> -> memref<128xi32, #tpu.memory_space<vmem>>
      %dma_start3A_87 = arith.constant 0 : i32
      %dma_start3A_88 = arith.constant 0 : i32
      %dma_start3A_89 = tpu.memref_slice %arg3[%dma_start3A_87, %dma_start3A_88] : memref<1000001x64xf32, #tpu.memory_space<hbm>> -> memref<1000001x64xf32, #tpu.memory_space<hbm>>
      tpu.enqueue_indirect_dma source(%dma_start3A_89 : memref<1000001x64xf32, #tpu.memory_space<hbm>>) target(%dma_start3A_83 : memref<128x64xf32, #tpu.memory_space<vmem>>) offsets(%dma_start3A_86 : memref<128xi32, #tpu.memory_space<vmem>>) semaphore(%arg17 : memref<!tpu.dma_semaphore, #tpu.memory_space<semaphore_mem>>)
      %dma_start3A_90 = arith.constant 3 : i32
      %dma_start3A_91 = arith.constant 128 : i32
      %dma_start3A_92 = arith.constant 0 : i32
      %dma_start3A_93 = tpu.memref_slice %arg10[%dma_start3A_91, %dma_start3A_92] : memref<200x64xf32, #tpu.memory_space<vmem>> -> memref<72x64xf32, #tpu.memory_space<vmem>>
      %dma_start3A_94 = arith.constant 128 : i32
      %dma_start3A_95 = tpu.memref_slice %arg5[%dma_start3A_90, %dma_start3A_94] : memref<64x208xi32, #tpu.memory_space<vmem>> -> memref<1x72xi32, #tpu.memory_space<vmem>>
      %dma_start3A_96 = tpu.memref_squeeze %dma_start3A_95 : memref<1x72xi32, #tpu.memory_space<vmem>> -> memref<72xi32, #tpu.memory_space<vmem>>
      %dma_start3A_97 = arith.constant 0 : i32
      %dma_start3A_98 = arith.constant 0 : i32
      %dma_start3A_99 = tpu.memref_slice %arg3[%dma_start3A_97, %dma_start3A_98] : memref<1000001x64xf32, #tpu.memory_space<hbm>> -> memref<1000001x64xf32, #tpu.memory_space<hbm>>
      tpu.enqueue_indirect_dma source(%dma_start3A_99 : memref<1000001x64xf32, #tpu.memory_space<hbm>>) target(%dma_start3A_93 : memref<72x64xf32, #tpu.memory_space<vmem>>) offsets(%dma_start3A_96 : memref<72xi32, #tpu.memory_space<vmem>>) semaphore(%arg18 : memref<!tpu.dma_semaphore, #tpu.memory_space<semaphore_mem>>)
      %scan3A_100 = arith.constant 0 : i32
      %scan3A_101 = arith.constant 0 : i32
      %scan3A_102 = arith.constant 16 : i32
      %scan3A_103 = arith.addi %scan3A_101, %scan3A_102 : i32
      %scan3A_104 = arith.constant 1 : i32
      %scan3A_105 = scf.for %scan3A_108 = %scan3A_101 to %scan3A_103 step %scan3A_104 iter_args(%scan3A_109 = %scan3A_100) -> (i32)  : i32 {
        %mul3A_110 = arith.constant 4 : i32
        %mul3A_111 = arith.muli %mul3A_110, %scan3A_108 : i32
        %add3A_112 = arith.constant 0 : i32
        %add3A_113 = arith.addi %mul3A_111, %add3A_112 : i32
        %dma_wait3A = arith.constant 0 : i32
        %dma_wait3A_114 = arith.constant 0 : i32
        %dma_wait3A_115 = tpu.memref_slice %arg7[%dma_wait3A, %dma_wait3A_114] : memref<200x64xf32, #tpu.memory_space<vmem>> -> memref<128x64xf32, #tpu.memory_space<vmem>>
        %dma_wait3A_116 = arith.constant 0 : i32
        %dma_wait3A_117 = tpu.memref_slice %arg5[%add3A_113, %dma_wait3A_116] : memref<64x208xi32, #tpu.memory_space<vmem>> -> memref<1x128xi32, #tpu.memory_space<vmem>>
        %dma_wait3A_118 = tpu.memref_squeeze %dma_wait3A_117 : memref<1x128xi32, #tpu.memory_space<vmem>> -> memref<128xi32, #tpu.memory_space<vmem>>
        %dma_wait3A_119 = arith.constant 0 : i32
        %dma_wait3A_120 = arith.constant 0 : i32
        %dma_wait3A_121 = tpu.memref_slice %arg3[%dma_wait3A_119, %dma_wait3A_120] : memref<1000001x64xf32, #tpu.memory_space<hbm>> -> memref<1000001x64xf32, #tpu.memory_space<hbm>>
        tpu.wait_indirect_dma semaphore(%arg11 : memref<!tpu.dma_semaphore, #tpu.memory_space<semaphore_mem>>) src(%dma_wait3A_121 : memref<1000001x64xf32, #tpu.memory_space<hbm>>) dst(%dma_wait3A_115 : memref<128x64xf32, #tpu.memory_space<vmem>>)
        %dma_wait3A_122 = arith.constant 128 : i32
        %dma_wait3A_123 = arith.constant 0 : i32
        %dma_wait3A_124 = tpu.memref_slice %arg7[%dma_wait3A_122, %dma_wait3A_123] : memref<200x64xf32, #tpu.memory_space<vmem>> -> memref<72x64xf32, #tpu.memory_space<vmem>>
        %dma_wait3A_125 = arith.constant 128 : i32
        %dma_wait3A_126 = tpu.memref_slice %arg5[%add3A_113, %dma_wait3A_125] : memref<64x208xi32, #tpu.memory_space<vmem>> -> memref<1x72xi32, #tpu.memory_space<vmem>>
        %dma_wait3A_127 = tpu.memref_squeeze %dma_wait3A_126 : memref<1x72xi32, #tpu.memory_space<vmem>> -> memref<72xi32, #tpu.memory_space<vmem>>
        %dma_wait3A_128 = arith.constant 0 : i32
        %dma_wait3A_129 = arith.constant 0 : i32
        %dma_wait3A_130 = tpu.memref_slice %arg3[%dma_wait3A_128, %dma_wait3A_129] : memref<1000001x64xf32, #tpu.memory_space<hbm>> -> memref<1000001x64xf32, #tpu.memory_space<hbm>>
        tpu.wait_indirect_dma semaphore(%arg12 : memref<!tpu.dma_semaphore, #tpu.memory_space<semaphore_mem>>) src(%dma_wait3A_130 : memref<1000001x64xf32, #tpu.memory_space<hbm>>) dst(%dma_wait3A_124 : memref<72x64xf32, #tpu.memory_space<vmem>>)
        %lt3A = arith.constant 15 : i32
        %lt3A_131 = arith.cmpi slt, %scan3A_108, %lt3A : i32
        %convert_element_type3A = arith.extui %lt3A_131 : i1 to i32
        %cond3A = arith.constant 0 : i32
        %cond3A_132 = arith.cmpi ne, %convert_element_type3A, %cond3A : i32
        scf.if %cond3A_132 {
          %add3A_389 = arith.constant 4 : i32
          %add3A_390 = arith.addi %add3A_113, %add3A_389 : i32
          %dma_start3A_391 = arith.constant 0 : i32
          %dma_start3A_392 = arith.constant 0 : i32
          %dma_start3A_393 = tpu.memref_slice %arg7[%dma_start3A_391, %dma_start3A_392] : memref<200x64xf32, #tpu.memory_space<vmem>> -> memref<128x64xf32, #tpu.memory_space<vmem>>
          %dma_start3A_394 = arith.constant 0 : i32
          %dma_start3A_395 = tpu.memref_slice %arg5[%add3A_390, %dma_start3A_394] : memref<64x208xi32, #tpu.memory_space<vmem>> -> memref<1x128xi32, #tpu.memory_space<vmem>>
          %dma_start3A_396 = tpu.memref_squeeze %dma_start3A_395 : memref<1x128xi32, #tpu.memory_space<vmem>> -> memref<128xi32, #tpu.memory_space<vmem>>
          %dma_start3A_397 = arith.constant 0 : i32
          %dma_start3A_398 = arith.constant 0 : i32
          %dma_start3A_399 = tpu.memref_slice %arg3[%dma_start3A_397, %dma_start3A_398] : memref<1000001x64xf32, #tpu.memory_space<hbm>> -> memref<1000001x64xf32, #tpu.memory_space<hbm>>
          tpu.enqueue_indirect_dma source(%dma_start3A_399 : memref<1000001x64xf32, #tpu.memory_space<hbm>>) target(%dma_start3A_393 : memref<128x64xf32, #tpu.memory_space<vmem>>) offsets(%dma_start3A_396 : memref<128xi32, #tpu.memory_space<vmem>>) semaphore(%arg11 : memref<!tpu.dma_semaphore, #tpu.memory_space<semaphore_mem>>)
          %dma_start3A_400 = arith.constant 128 : i32
          %dma_start3A_401 = arith.constant 0 : i32
          %dma_start3A_402 = tpu.memref_slice %arg7[%dma_start3A_400, %dma_start3A_401] : memref<200x64xf32, #tpu.memory_space<vmem>> -> memref<72x64xf32, #tpu.memory_space<vmem>>
          %dma_start3A_403 = arith.constant 128 : i32
          %dma_start3A_404 = tpu.memref_slice %arg5[%add3A_390, %dma_start3A_403] : memref<64x208xi32, #tpu.memory_space<vmem>> -> memref<1x72xi32, #tpu.memory_space<vmem>>
          %dma_start3A_405 = tpu.memref_squeeze %dma_start3A_404 : memref<1x72xi32, #tpu.memory_space<vmem>> -> memref<72xi32, #tpu.memory_space<vmem>>
          %dma_start3A_406 = arith.constant 0 : i32
          %dma_start3A_407 = arith.constant 0 : i32
          %dma_start3A_408 = tpu.memref_slice %arg3[%dma_start3A_406, %dma_start3A_407] : memref<1000001x64xf32, #tpu.memory_space<hbm>> -> memref<1000001x64xf32, #tpu.memory_space<hbm>>
          tpu.enqueue_indirect_dma source(%dma_start3A_408 : memref<1000001x64xf32, #tpu.memory_space<hbm>>) target(%dma_start3A_402 : memref<72x64xf32, #tpu.memory_space<vmem>>) offsets(%dma_start3A_405 : memref<72xi32, #tpu.memory_space<vmem>>) semaphore(%arg12 : memref<!tpu.dma_semaphore, #tpu.memory_space<semaphore_mem>>)
        } else {
        }
        %broadcast_in_dim3A = arith.constant 0.000000e+00 : f32
        %broadcast_in_dim3A_133 = vector.broadcast %broadcast_in_dim3A : f32 to vector<16xf32>
        %scan3A_134 = arith.constant 0 : i32
        %scan3A_135 = arith.constant 100 : i32
        %scan3A_136 = arith.addi %scan3A_134, %scan3A_135 : i32
        %scan3A_137 = arith.constant 4 : i32
        %scan3A_138:8 = scf.for %scan3A_389 = %scan3A_134 to %scan3A_136 step %scan3A_137 iter_args(%scan3A_390 = %broadcast_in_dim3A_133, %scan3A_391 = %broadcast_in_dim3A_133, %scan3A_392 = %broadcast_in_dim3A_133, %scan3A_393 = %broadcast_in_dim3A_133, %scan3A_394 = %broadcast_in_dim3A_133, %scan3A_395 = %broadcast_in_dim3A_133, %scan3A_396 = %broadcast_in_dim3A_133, %scan3A_397 = %broadcast_in_dim3A_133) -> (vector<16xf32>, vector<16xf32>, vector<16xf32>, vector<16xf32>, vector<16xf32>, vector<16xf32>, vector<16xf32>, vector<16xf32>)  : i32 {
          %mul3A_398 = arith.constant 2 : i32
          %mul3A_399 = arith.muli %mul3A_398, %scan3A_389 : i32
          %get3A = arith.index_cast %mul3A_399 : i32 to index
          %get3A_400 = arith.constant 0 : index
          %get3A_401 = tpu.vector_load %arg7[%get3A, %get3A_400] {strides = array<i32>} : memref<200x64xf32, #tpu.memory_space<vmem>>, vector<1x16xf32>,
          %get3A_402 = vector.shape_cast %get3A_401 : vector<1x16xf32> to vector<16xf32>
          %add3A_403 = arith.addf %scan3A_390, %get3A_402 : vector<16xf32>
          %mul3A_404 = arith.constant 2 : i32
          %mul3A_405 = arith.muli %mul3A_404, %scan3A_389 : i32
          %get3A_406 = arith.index_cast %mul3A_405 : i32 to index
          %get3A_407 = arith.constant 16 : index
          %get3A_408 = tpu.vector_load %arg7[%get3A_406, %get3A_407] {strides = array<i32>} : memref<200x64xf32, #tpu.memory_space<vmem>>, vector<1x16xf32>,
          %get3A_409 = vector.shape_cast %get3A_408 : vector<1x16xf32> to vector<16xf32>
          %add3A_410 = arith.addf %scan3A_391, %get3A_409 : vector<16xf32>
          %mul3A_411 = arith.constant 2 : i32
          %mul3A_412 = arith.muli %mul3A_411, %scan3A_389 : i32
          %get3A_413 = arith.index_cast %mul3A_412 : i32 to index
          %get3A_414 = arith.constant 32 : index
          %get3A_415 = tpu.vector_load %arg7[%get3A_413, %get3A_414] {strides = array<i32>} : memref<200x64xf32, #tpu.memory_space<vmem>>, vector<1x16xf32>,
          %get3A_416 = vector.shape_cast %get3A_415 : vector<1x16xf32> to vector<16xf32>
          %add3A_417 = arith.addf %scan3A_392, %get3A_416 : vector<16xf32>
          %mul3A_418 = arith.constant 2 : i32
          %mul3A_419 = arith.muli %mul3A_418, %scan3A_389 : i32
          %get3A_420 = arith.index_cast %mul3A_419 : i32 to index
          %get3A_421 = arith.constant 48 : index
          %get3A_422 = tpu.vector_load %arg7[%get3A_420, %get3A_421] {strides = array<i32>} : memref<200x64xf32, #tpu.memory_space<vmem>>, vector<1x16xf32>,
          %get3A_423 = vector.shape_cast %get3A_422 : vector<1x16xf32> to vector<16xf32>
          %add3A_424 = arith.addf %scan3A_393, %get3A_423 : vector<16xf32>
          %mul3A_425 = arith.constant 2 : i32
          %mul3A_426 = arith.muli %mul3A_425, %scan3A_389 : i32
          %add3A_427 = arith.constant 1 : i32
          %add3A_428 = arith.addi %mul3A_426, %add3A_427 : i32
          %get3A_429 = arith.index_cast %add3A_428 : i32 to index
          %get3A_430 = arith.constant 0 : index
          %get3A_431 = tpu.vector_load %arg7[%get3A_429, %get3A_430] {strides = array<i32>} : memref<200x64xf32, #tpu.memory_space<vmem>>, vector<1x16xf32>,
          %get3A_432 = vector.shape_cast %get3A_431 : vector<1x16xf32> to vector<16xf32>
          %add3A_433 = arith.addf %scan3A_394, %get3A_432 : vector<16xf32>
          %mul3A_434 = arith.constant 2 : i32
          %mul3A_435 = arith.muli %mul3A_434, %scan3A_389 : i32
          %add3A_436 = arith.constant 1 : i32
          %add3A_437 = arith.addi %mul3A_435, %add3A_436 : i32
          %get3A_438 = arith.index_cast %add3A_437 : i32 to index
          %get3A_439 = arith.constant 16 : index
          %get3A_440 = tpu.vector_load %arg7[%get3A_438, %get3A_439] {strides = array<i32>} : memref<200x64xf32, #tpu.memory_space<vmem>>, vector<1x16xf32>,
          %get3A_441 = vector.shape_cast %get3A_440 : vector<1x16xf32> to vector<16xf32>
          %add3A_442 = arith.addf %scan3A_395, %get3A_441 : vector<16xf32>
          %mul3A_443 = arith.constant 2 : i32
          %mul3A_444 = arith.muli %mul3A_443, %scan3A_389 : i32
          %add3A_445 = arith.constant 1 : i32
          %add3A_446 = arith.addi %mul3A_444, %add3A_445 : i32
          %get3A_447 = arith.index_cast %add3A_446 : i32 to index
          %get3A_448 = arith.constant 32 : index
          %get3A_449 = tpu.vector_load %arg7[%get3A_447, %get3A_448] {strides = array<i32>} : memref<200x64xf32, #tpu.memory_space<vmem>>, vector<1x16xf32>,
          %get3A_450 = vector.shape_cast %get3A_449 : vector<1x16xf32> to vector<16xf32>
          %add3A_451 = arith.addf %scan3A_396, %get3A_450 : vector<16xf32>
          %mul3A_452 = arith.constant 2 : i32
          %mul3A_453 = arith.muli %mul3A_452, %scan3A_389 : i32
          %add3A_454 = arith.constant 1 : i32
          %add3A_455 = arith.addi %mul3A_453, %add3A_454 : i32
          %get3A_456 = arith.index_cast %add3A_455 : i32 to index
          %get3A_457 = arith.constant 48 : index
          %get3A_458 = tpu.vector_load %arg7[%get3A_456, %get3A_457] {strides = array<i32>} : memref<200x64xf32, #tpu.memory_space<vmem>>, vector<1x16xf32>,
          %get3A_459 = vector.shape_cast %get3A_458 : vector<1x16xf32> to vector<16xf32>
          %add3A_460 = arith.addf %scan3A_397, %get3A_459 : vector<16xf32>
          %scan3A_461 = arith.constant 1 : i32
          %scan3A_462 = arith.addi %scan3A_389, %scan3A_461 : i32
          %mul3A_463 = arith.constant 2 : i32
          %mul3A_464 = arith.muli %mul3A_463, %scan3A_462 : i32
          %get3A_465 = arith.index_cast %mul3A_464 : i32 to index
          %get3A_466 = arith.constant 0 : index
          %get3A_467 = tpu.vector_load %arg7[%get3A_465, %get3A_466] {strides = array<i32>} : memref<200x64xf32, #tpu.memory_space<vmem>>, vector<1x16xf32>,
          %get3A_468 = vector.shape_cast %get3A_467 : vector<1x16xf32> to vector<16xf32>
          %add3A_469 = arith.addf %add3A_403, %get3A_468 : vector<16xf32>
          %mul3A_470 = arith.constant 2 : i32
          %mul3A_471 = arith.muli %mul3A_470, %scan3A_462 : i32
          %get3A_472 = arith.index_cast %mul3A_471 : i32 to index
          %get3A_473 = arith.constant 16 : index
          %get3A_474 = tpu.vector_load %arg7[%get3A_472, %get3A_473] {strides = array<i32>} : memref<200x64xf32, #tpu.memory_space<vmem>>, vector<1x16xf32>,
          %get3A_475 = vector.shape_cast %get3A_474 : vector<1x16xf32> to vector<16xf32>
          %add3A_476 = arith.addf %add3A_410, %get3A_475 : vector<16xf32>
          %mul3A_477 = arith.constant 2 : i32
          %mul3A_478 = arith.muli %mul3A_477, %scan3A_462 : i32
          %get3A_479 = arith.index_cast %mul3A_478 : i32 to index
          %get3A_480 = arith.constant 32 : index
          %get3A_481 = tpu.vector_load %arg7[%get3A_479, %get3A_480] {strides = array<i32>} : memref<200x64xf32, #tpu.memory_space<vmem>>, vector<1x16xf32>,
          %get3A_482 = vector.shape_cast %get3A_481 : vector<1x16xf32> to vector<16xf32>
          %add3A_483 = arith.addf %add3A_417, %get3A_482 : vector<16xf32>
          %mul3A_484 = arith.constant 2 : i32
          %mul3A_485 = arith.muli %mul3A_484, %scan3A_462 : i32
          %get3A_486 = arith.index_cast %mul3A_485 : i32 to index
          %get3A_487 = arith.constant 48 : index
          %get3A_488 = tpu.vector_load %arg7[%get3A_486, %get3A_487] {strides = array<i32>} : memref<200x64xf32, #tpu.memory_space<vmem>>, vector<1x16xf32>,
          %get3A_489 = vector.shape_cast %get3A_488 : vector<1x16xf32> to vector<16xf32>
          %add3A_490 = arith.addf %add3A_424, %get3A_489 : vector<16xf32>
          %mul3A_491 = arith.constant 2 : i32
          %mul3A_492 = arith.muli %mul3A_491, %scan3A_462 : i32
          %add3A_493 = arith.constant 1 : i32
          %add3A_494 = arith.addi %mul3A_492, %add3A_493 : i32
          %get3A_495 = arith.index_cast %add3A_494 : i32 to index
          %get3A_496 = arith.constant 0 : index
          %get3A_497 = tpu.vector_load %arg7[%get3A_495, %get3A_496] {strides = array<i32>} : memref<200x64xf32, #tpu.memory_space<vmem>>, vector<1x16xf32>,
          %get3A_498 = vector.shape_cast %get3A_497 : vector<1x16xf32> to vector<16xf32>
          %add3A_499 = arith.addf %add3A_433, %get3A_498 : vector<16xf32>
          %mul3A_500 = arith.constant 2 : i32
          %mul3A_501 = arith.muli %mul3A_500, %scan3A_462 : i32
          %add3A_502 = arith.constant 1 : i32
          %add3A_503 = arith.addi %mul3A_501, %add3A_502 : i32
          %get3A_504 = arith.index_cast %add3A_503 : i32 to index
          %get3A_505 = arith.constant 16 : index
          %get3A_506 = tpu.vector_load %arg7[%get3A_504, %get3A_505] {strides = array<i32>} : memref<200x64xf32, #tpu.memory_space<vmem>>, vector<1x16xf32>,
          %get3A_507 = vector.shape_cast %get3A_506 : vector<1x16xf32> to vector<16xf32>
          %add3A_508 = arith.addf %add3A_442, %get3A_507 : vector<16xf32>
          %mul3A_509 = arith.constant 2 : i32
          %mul3A_510 = arith.muli %mul3A_509, %scan3A_462 : i32
          %add3A_511 = arith.constant 1 : i32
          %add3A_512 = arith.addi %mul3A_510, %add3A_511 : i32
          %get3A_513 = arith.index_cast %add3A_512 : i32 to index
          %get3A_514 = arith.constant 32 : index
          %get3A_515 = tpu.vector_load %arg7[%get3A_513, %get3A_514] {strides = array<i32>} : memref<200x64xf32, #tpu.memory_space<vmem>>, vector<1x16xf32>,
          %get3A_516 = vector.shape_cast %get3A_515 : vector<1x16xf32> to vector<16xf32>
          %add3A_517 = arith.addf %add3A_451, %get3A_516 : vector<16xf32>
          %mul3A_518 = arith.constant 2 : i32
          %mul3A_519 = arith.muli %mul3A_518, %scan3A_462 : i32
          %add3A_520 = arith.constant 1 : i32
          %add3A_521 = arith.addi %mul3A_519, %add3A_520 : i32
          %get3A_522 = arith.index_cast %add3A_521 : i32 to index
          %get3A_523 = arith.constant 48 : index
          %get3A_524 = tpu.vector_load %arg7[%get3A_522, %get3A_523] {strides = array<i32>} : memref<200x64xf32, #tpu.memory_space<vmem>>, vector<1x16xf32>,
          %get3A_525 = vector.shape_cast %get3A_524 : vector<1x16xf32> to vector<16xf32>
          %add3A_526 = arith.addf %add3A_460, %get3A_525 : vector<16xf32>
          %scan3A_527 = arith.constant 2 : i32
          %scan3A_528 = arith.addi %scan3A_389, %scan3A_527 : i32
          %mul3A_529 = arith.constant 2 : i32
          %mul3A_530 = arith.muli %mul3A_529, %scan3A_528 : i32
          %get3A_531 = arith.index_cast %mul3A_530 : i32 to index
          %get3A_532 = arith.constant 0 : index
          %get3A_533 = tpu.vector_load %arg7[%get3A_531, %get3A_532] {strides = array<i32>} : memref<200x64xf32, #tpu.memory_space<vmem>>, vector<1x16xf32>,
          %get3A_534 = vector.shape_cast %get3A_533 : vector<1x16xf32> to vector<16xf32>
          %add3A_535 = arith.addf %add3A_469, %get3A_534 : vector<16xf32>
          %mul3A_536 = arith.constant 2 : i32
          %mul3A_537 = arith.muli %mul3A_536, %scan3A_528 : i32
          %get3A_538 = arith.index_cast %mul3A_537 : i32 to index
          %get3A_539 = arith.constant 16 : index
          %get3A_540 = tpu.vector_load %arg7[%get3A_538, %get3A_539] {strides = array<i32>} : memref<200x64xf32, #tpu.memory_space<vmem>>, vector<1x16xf32>,
          %get3A_541 = vector.shape_cast %get3A_540 : vector<1x16xf32> to vector<16xf32>
          %add3A_542 = arith.addf %add3A_476, %get3A_541 : vector<16xf32>
          %mul3A_543 = arith.constant 2 : i32
          %mul3A_544 = arith.muli %mul3A_543, %scan3A_528 : i32
          %get3A_545 = arith.index_cast %mul3A_544 : i32 to index
          %get3A_546 = arith.constant 32 : index
          %get3A_547 = tpu.vector_load %arg7[%get3A_545, %get3A_546] {strides = array<i32>} : memref<200x64xf32, #tpu.memory_space<vmem>>, vector<1x16xf32>,
          %get3A_548 = vector.shape_cast %get3A_547 : vector<1x16xf32> to vector<16xf32>
          %add3A_549 = arith.addf %add3A_483, %get3A_548 : vector<16xf32>
          %mul3A_550 = arith.constant 2 : i32
          %mul3A_551 = arith.muli %mul3A_550, %scan3A_528 : i32
          %get3A_552 = arith.index_cast %mul3A_551 : i32 to index
          %get3A_553 = arith.constant 48 : index
          %get3A_554 = tpu.vector_load %arg7[%get3A_552, %get3A_553] {strides = array<i32>} : memref<200x64xf32, #tpu.memory_space<vmem>>, vector<1x16xf32>,
          %get3A_555 = vector.shape_cast %get3A_554 : vector<1x16xf32> to vector<16xf32>
          %add3A_556 = arith.addf %add3A_490, %get3A_555 : vector<16xf32>
          %mul3A_557 = arith.constant 2 : i32
          %mul3A_558 = arith.muli %mul3A_557, %scan3A_528 : i32
          %add3A_559 = arith.constant 1 : i32
          %add3A_560 = arith.addi %mul3A_558, %add3A_559 : i32
          %get3A_561 = arith.index_cast %add3A_560 : i32 to index
          %get3A_562 = arith.constant 0 : index
          %get3A_563 = tpu.vector_load %arg7[%get3A_561, %get3A_562] {strides = array<i32>} : memref<200x64xf32, #tpu.memory_space<vmem>>, vector<1x16xf32>,
          %get3A_564 = vector.shape_cast %get3A_563 : vector<1x16xf32> to vector<16xf32>
          %add3A_565 = arith.addf %add3A_499, %get3A_564 : vector<16xf32>
          %mul3A_566 = arith.constant 2 : i32
          %mul3A_567 = arith.muli %mul3A_566, %scan3A_528 : i32
          %add3A_568 = arith.constant 1 : i32
          %add3A_569 = arith.addi %mul3A_567, %add3A_568 : i32
          %get3A_570 = arith.index_cast %add3A_569 : i32 to index
          %get3A_571 = arith.constant 16 : index
          %get3A_572 = tpu.vector_load %arg7[%get3A_570, %get3A_571] {strides = array<i32>} : memref<200x64xf32, #tpu.memory_space<vmem>>, vector<1x16xf32>,
          %get3A_573 = vector.shape_cast %get3A_572 : vector<1x16xf32> to vector<16xf32>
          %add3A_574 = arith.addf %add3A_508, %get3A_573 : vector<16xf32>
          %mul3A_575 = arith.constant 2 : i32
          %mul3A_576 = arith.muli %mul3A_575, %scan3A_528 : i32
          %add3A_577 = arith.constant 1 : i32
          %add3A_578 = arith.addi %mul3A_576, %add3A_577 : i32
          %get3A_579 = arith.index_cast %add3A_578 : i32 to index
          %get3A_580 = arith.constant 32 : index
          %get3A_581 = tpu.vector_load %arg7[%get3A_579, %get3A_580] {strides = array<i32>} : memref<200x64xf32, #tpu.memory_space<vmem>>, vector<1x16xf32>,
          %get3A_582 = vector.shape_cast %get3A_581 : vector<1x16xf32> to vector<16xf32>
          %add3A_583 = arith.addf %add3A_517, %get3A_582 : vector<16xf32>
          %mul3A_584 = arith.constant 2 : i32
          %mul3A_585 = arith.muli %mul3A_584, %scan3A_528 : i32
          %add3A_586 = arith.constant 1 : i32
          %add3A_587 = arith.addi %mul3A_585, %add3A_586 : i32
          %get3A_588 = arith.index_cast %add3A_587 : i32 to index
          %get3A_589 = arith.constant 48 : index
          %get3A_590 = tpu.vector_load %arg7[%get3A_588, %get3A_589] {strides = array<i32>} : memref<200x64xf32, #tpu.memory_space<vmem>>, vector<1x16xf32>,
          %get3A_591 = vector.shape_cast %get3A_590 : vector<1x16xf32> to vector<16xf32>
          %add3A_592 = arith.addf %add3A_526, %get3A_591 : vector<16xf32>
          %scan3A_593 = arith.constant 3 : i32
          %scan3A_594 = arith.addi %scan3A_389, %scan3A_593 : i32
          %mul3A_595 = arith.constant 2 : i32
          %mul3A_596 = arith.muli %mul3A_595, %scan3A_594 : i32
          %get3A_597 = arith.index_cast %mul3A_596 : i32 to index
          %get3A_598 = arith.constant 0 : index
          %get3A_599 = tpu.vector_load %arg7[%get3A_597, %get3A_598] {strides = array<i32>} : memref<200x64xf32, #tpu.memory_space<vmem>>, vector<1x16xf32>,
          %get3A_600 = vector.shape_cast %get3A_599 : vector<1x16xf32> to vector<16xf32>
          %add3A_601 = arith.addf %add3A_535, %get3A_600 : vector<16xf32>
          %mul3A_602 = arith.constant 2 : i32
          %mul3A_603 = arith.muli %mul3A_602, %scan3A_594 : i32
          %get3A_604 = arith.index_cast %mul3A_603 : i32 to index
          %get3A_605 = arith.constant 16 : index
          %get3A_606 = tpu.vector_load %arg7[%get3A_604, %get3A_605] {strides = array<i32>} : memref<200x64xf32, #tpu.memory_space<vmem>>, vector<1x16xf32>,
          %get3A_607 = vector.shape_cast %get3A_606 : vector<1x16xf32> to vector<16xf32>
          %add3A_608 = arith.addf %add3A_542, %get3A_607 : vector<16xf32>
          %mul3A_609 = arith.constant 2 : i32
          %mul3A_610 = arith.muli %mul3A_609, %scan3A_594 : i32
          %get3A_611 = arith.index_cast %mul3A_610 : i32 to index
          %get3A_612 = arith.constant 32 : index
          %get3A_613 = tpu.vector_load %arg7[%get3A_611, %get3A_612] {strides = array<i32>} : memref<200x64xf32, #tpu.memory_space<vmem>>, vector<1x16xf32>,
          %get3A_614 = vector.shape_cast %get3A_613 : vector<1x16xf32> to vector<16xf32>
          %add3A_615 = arith.addf %add3A_549, %get3A_614 : vector<16xf32>
          %mul3A_616 = arith.constant 2 : i32
          %mul3A_617 = arith.muli %mul3A_616, %scan3A_594 : i32
          %get3A_618 = arith.index_cast %mul3A_617 : i32 to index
          %get3A_619 = arith.constant 48 : index
          %get3A_620 = tpu.vector_load %arg7[%get3A_618, %get3A_619] {strides = array<i32>} : memref<200x64xf32, #tpu.memory_space<vmem>>, vector<1x16xf32>,
          %get3A_621 = vector.shape_cast %get3A_620 : vector<1x16xf32> to vector<16xf32>
          %add3A_622 = arith.addf %add3A_556, %get3A_621 : vector<16xf32>
          %mul3A_623 = arith.constant 2 : i32
          %mul3A_624 = arith.muli %mul3A_623, %scan3A_594 : i32
          %add3A_625 = arith.constant 1 : i32
          %add3A_626 = arith.addi %mul3A_624, %add3A_625 : i32
          %get3A_627 = arith.index_cast %add3A_626 : i32 to index
          %get3A_628 = arith.constant 0 : index
          %get3A_629 = tpu.vector_load %arg7[%get3A_627, %get3A_628] {strides = array<i32>} : memref<200x64xf32, #tpu.memory_space<vmem>>, vector<1x16xf32>,
          %get3A_630 = vector.shape_cast %get3A_629 : vector<1x16xf32> to vector<16xf32>
          %add3A_631 = arith.addf %add3A_565, %get3A_630 : vector<16xf32>
          %mul3A_632 = arith.constant 2 : i32
          %mul3A_633 = arith.muli %mul3A_632, %scan3A_594 : i32
          %add3A_634 = arith.constant 1 : i32
          %add3A_635 = arith.addi %mul3A_633, %add3A_634 : i32
          %get3A_636 = arith.index_cast %add3A_635 : i32 to index
          %get3A_637 = arith.constant 16 : index
          %get3A_638 = tpu.vector_load %arg7[%get3A_636, %get3A_637] {strides = array<i32>} : memref<200x64xf32, #tpu.memory_space<vmem>>, vector<1x16xf32>,
          %get3A_639 = vector.shape_cast %get3A_638 : vector<1x16xf32> to vector<16xf32>
          %add3A_640 = arith.addf %add3A_574, %get3A_639 : vector<16xf32>
          %mul3A_641 = arith.constant 2 : i32
          %mul3A_642 = arith.muli %mul3A_641, %scan3A_594 : i32
          %add3A_643 = arith.constant 1 : i32
          %add3A_644 = arith.addi %mul3A_642, %add3A_643 : i32
          %get3A_645 = arith.index_cast %add3A_644 : i32 to index
          %get3A_646 = arith.constant 32 : index
          %get3A_647 = tpu.vector_load %arg7[%get3A_645, %get3A_646] {strides = array<i32>} : memref<200x64xf32, #tpu.memory_space<vmem>>, vector<1x16xf32>,
          %get3A_648 = vector.shape_cast %get3A_647 : vector<1x16xf32> to vector<16xf32>
          %add3A_649 = arith.addf %add3A_583, %get3A_648 : vector<16xf32>
          %mul3A_650 = arith.constant 2 : i32
          %mul3A_651 = arith.muli %mul3A_650, %scan3A_594 : i32
          %add3A_652 = arith.constant 1 : i32
          %add3A_653 = arith.addi %mul3A_651, %add3A_652 : i32
          %get3A_654 = arith.index_cast %add3A_653 : i32 to index
          %get3A_655 = arith.constant 48 : index
          %get3A_656 = tpu.vector_load %arg7[%get3A_654, %get3A_655] {strides = array<i32>} : memref<200x64xf32, #tpu.memory_space<vmem>>, vector<1x16xf32>,
          %get3A_657 = vector.shape_cast %get3A_656 : vector<1x16xf32> to vector<16xf32>
          %add3A_658 = arith.addf %add3A_592, %get3A_657 : vector<16xf32>
          scf.yield %add3A_601, %add3A_608, %add3A_615, %add3A_622, %add3A_631, %add3A_640, %add3A_649, %add3A_658 : vector<16xf32>, vector<16xf32>, vector<16xf32>, vector<16xf32>, vector<16xf32>, vector<16xf32>, vector<16xf32>, vector<16xf32>
        }
        %scan3A_139 = arith.constant 100 : i32
        %add3A_140 = arith.addf %scan3A_138#0, %scan3A_138#4 : vector<16xf32>
        %mul3A_141 = arith.constant 5.000000e-03 : f32
        %mul3A_142 = vector.broadcast %mul3A_141 : f32 to vector<16xf32>
        %mul3A_143 = arith.mulf %add3A_140, %mul3A_142 : vector<16xf32>
        %swap3A = arith.index_cast %add3A_113 : i32 to index
        %swap3A_144 = arith.constant 0 : index
        %swap3A_145 = tpu.vector_load %arg6[%swap3A, %swap3A_144] {strides = array<i32>} : memref<64x64xf32, #tpu.memory_space<vmem>>, vector<1x16xf32>,
        %swap3A_146 = vector.shape_cast %swap3A_145 : vector<1x16xf32> to vector<16xf32>
        %swap3A_147 = vector.shape_cast %mul3A_143 : vector<16xf32> to vector<1x16xf32>
        tpu.vector_store %arg6[%swap3A, %swap3A_144], %swap3A_147 {strides = array<i32>} : memref<64x64xf32, #tpu.memory_space<vmem>>, vector<1x16xf32>,
        %add3A_148 = arith.addf %scan3A_138#1, %scan3A_138#5 : vector<16xf32>
        %mul3A_149 = arith.constant 5.000000e-03 : f32
        %mul3A_150 = vector.broadcast %mul3A_149 : f32 to vector<16xf32>
        %mul3A_151 = arith.mulf %add3A_148, %mul3A_150 : vector<16xf32>
        %swap3A_152 = arith.index_cast %add3A_113 : i32 to index
        %swap3A_153 = arith.constant 16 : index
        %swap3A_154 = tpu.vector_load %arg6[%swap3A_152, %swap3A_153] {strides = array<i32>} : memref<64x64xf32, #tpu.memory_space<vmem>>, vector<1x16xf32>,
        %swap3A_155 = vector.shape_cast %swap3A_154 : vector<1x16xf32> to vector<16xf32>
        %swap3A_156 = vector.shape_cast %mul3A_151 : vector<16xf32> to vector<1x16xf32>
        tpu.vector_store %arg6[%swap3A_152, %swap3A_153], %swap3A_156 {strides = array<i32>} : memref<64x64xf32, #tpu.memory_space<vmem>>, vector<1x16xf32>,
        %add3A_157 = arith.addf %scan3A_138#2, %scan3A_138#6 : vector<16xf32>
        %mul3A_158 = arith.constant 5.000000e-03 : f32
        %mul3A_159 = vector.broadcast %mul3A_158 : f32 to vector<16xf32>
        %mul3A_160 = arith.mulf %add3A_157, %mul3A_159 : vector<16xf32>
        %swap3A_161 = arith.index_cast %add3A_113 : i32 to index
        %swap3A_162 = arith.constant 32 : index
        %swap3A_163 = tpu.vector_load %arg6[%swap3A_161, %swap3A_162] {strides = array<i32>} : memref<64x64xf32, #tpu.memory_space<vmem>>, vector<1x16xf32>,
        %swap3A_164 = vector.shape_cast %swap3A_163 : vector<1x16xf32> to vector<16xf32>
        %swap3A_165 = vector.shape_cast %mul3A_160 : vector<16xf32> to vector<1x16xf32>
        tpu.vector_store %arg6[%swap3A_161, %swap3A_162], %swap3A_165 {strides = array<i32>} : memref<64x64xf32, #tpu.memory_space<vmem>>, vector<1x16xf32>,
        %add3A_166 = arith.addf %scan3A_138#3, %scan3A_138#7 : vector<16xf32>
        %mul3A_167 = arith.constant 5.000000e-03 : f32
        %mul3A_168 = vector.broadcast %mul3A_167 : f32 to vector<16xf32>
        %mul3A_169 = arith.mulf %add3A_166, %mul3A_168 : vector<16xf32>
        %swap3A_170 = arith.index_cast %add3A_113 : i32 to index
        %swap3A_171 = arith.constant 48 : index
        %swap3A_172 = tpu.vector_load %arg6[%swap3A_170, %swap3A_171] {strides = array<i32>} : memref<64x64xf32, #tpu.memory_space<vmem>>, vector<1x16xf32>,
        %swap3A_173 = vector.shape_cast %swap3A_172 : vector<1x16xf32> to vector<16xf32>
        %swap3A_174 = vector.shape_cast %mul3A_169 : vector<16xf32> to vector<1x16xf32>
        tpu.vector_store %arg6[%swap3A_170, %swap3A_171], %swap3A_174 {strides = array<i32>} : memref<64x64xf32, #tpu.memory_space<vmem>>, vector<1x16xf32>,
        %mul3A_175 = arith.constant 4 : i32
        %mul3A_176 = arith.muli %mul3A_175, %scan3A_108 : i32
        %add3A_177 = arith.constant 1 : i32
        %add3A_178 = arith.addi %mul3A_176, %add3A_177 : i32
        %dma_wait3A_179 = arith.constant 0 : i32
        %dma_wait3A_180 = arith.constant 0 : i32
        %dma_wait3A_181 = tpu.memref_slice %arg8[%dma_wait3A_179, %dma_wait3A_180] : memref<200x64xf32, #tpu.memory_space<vmem>> -> memref<128x64xf32, #tpu.memory_space<vmem>>
        %dma_wait3A_182 = arith.constant 0 : i32
        %dma_wait3A_183 = tpu.memref_slice %arg5[%add3A_178, %dma_wait3A_182] : memref<64x208xi32, #tpu.memory_space<vmem>> -> memref<1x128xi32, #tpu.memory_space<vmem>>
        %dma_wait3A_184 = tpu.memref_squeeze %dma_wait3A_183 : memref<1x128xi32, #tpu.memory_space<vmem>> -> memref<128xi32, #tpu.memory_space<vmem>>
        %dma_wait3A_185 = arith.constant 0 : i32
        %dma_wait3A_186 = arith.constant 0 : i32
        %dma_wait3A_187 = tpu.memref_slice %arg3[%dma_wait3A_185, %dma_wait3A_186] : memref<1000001x64xf32, #tpu.memory_space<hbm>> -> memref<1000001x64xf32, #tpu.memory_space<hbm>>
        tpu.wait_indirect_dma semaphore(%arg13 : memref<!tpu.dma_semaphore, #tpu.memory_space<semaphore_mem>>) src(%dma_wait3A_187 : memref<1000001x64xf32, #tpu.memory_space<hbm>>) dst(%dma_wait3A_181 : memref<128x64xf32, #tpu.memory_space<vmem>>)
        %dma_wait3A_188 = arith.constant 128 : i32
        %dma_wait3A_189 = arith.constant 0 : i32
        %dma_wait3A_190 = tpu.memref_slice %arg8[%dma_wait3A_188, %dma_wait3A_189] : memref<200x64xf32, #tpu.memory_space<vmem>> -> memref<72x64xf32, #tpu.memory_space<vmem>>
        %dma_wait3A_191 = arith.constant 128 : i32
        %dma_wait3A_192 = tpu.memref_slice %arg5[%add3A_178, %dma_wait3A_191] : memref<64x208xi32, #tpu.memory_space<vmem>> -> memref<1x72xi32, #tpu.memory_space<vmem>>
        %dma_wait3A_193 = tpu.memref_squeeze %dma_wait3A_192 : memref<1x72xi32, #tpu.memory_space<vmem>> -> memref<72xi32, #tpu.memory_space<vmem>>
        %dma_wait3A_194 = arith.constant 0 : i32
        %dma_wait3A_195 = arith.constant 0 : i32
        %dma_wait3A_196 = tpu.memref_slice %arg3[%dma_wait3A_194, %dma_wait3A_195] : memref<1000001x64xf32, #tpu.memory_space<hbm>> -> memref<1000001x64xf32, #tpu.memory_space<hbm>>
        tpu.wait_indirect_dma semaphore(%arg14 : memref<!tpu.dma_semaphore, #tpu.memory_space<semaphore_mem>>) src(%dma_wait3A_196 : memref<1000001x64xf32, #tpu.memory_space<hbm>>) dst(%dma_wait3A_190 : memref<72x64xf32, #tpu.memory_space<vmem>>)
        %lt3A_197 = arith.constant 15 : i32
        %lt3A_198 = arith.cmpi slt, %scan3A_108, %lt3A_197 : i32
        %convert_element_type3A_199 = arith.extui %lt3A_198 : i1 to i32
        %cond3A_200 = arith.constant 0 : i32
        %cond3A_201 = arith.cmpi ne, %convert_element_type3A_199, %cond3A_200 : i32
        scf.if %cond3A_201 {
          %add3A_389 = arith.constant 4 : i32
          %add3A_390 = arith.addi %add3A_178, %add3A_389 : i32
          %dma_start3A_391 = arith.constant 0 : i32
          %dma_start3A_392 = arith.constant 0 : i32
          %dma_start3A_393 = tpu.memref_slice %arg8[%dma_start3A_391, %dma_start3A_392] : memref<200x64xf32, #tpu.memory_space<vmem>> -> memref<128x64xf32, #tpu.memory_space<vmem>>
          %dma_start3A_394 = arith.constant 0 : i32
          %dma_start3A_395 = tpu.memref_slice %arg5[%add3A_390, %dma_start3A_394] : memref<64x208xi32, #tpu.memory_space<vmem>> -> memref<1x128xi32, #tpu.memory_space<vmem>>
          %dma_start3A_396 = tpu.memref_squeeze %dma_start3A_395 : memref<1x128xi32, #tpu.memory_space<vmem>> -> memref<128xi32, #tpu.memory_space<vmem>>
          %dma_start3A_397 = arith.constant 0 : i32
          %dma_start3A_398 = arith.constant 0 : i32
          %dma_start3A_399 = tpu.memref_slice %arg3[%dma_start3A_397, %dma_start3A_398] : memref<1000001x64xf32, #tpu.memory_space<hbm>> -> memref<1000001x64xf32, #tpu.memory_space<hbm>>
          tpu.enqueue_indirect_dma source(%dma_start3A_399 : memref<1000001x64xf32, #tpu.memory_space<hbm>>) target(%dma_start3A_393 : memref<128x64xf32, #tpu.memory_space<vmem>>) offsets(%dma_start3A_396 : memref<128xi32, #tpu.memory_space<vmem>>) semaphore(%arg13 : memref<!tpu.dma_semaphore, #tpu.memory_space<semaphore_mem>>)
          %dma_start3A_400 = arith.constant 128 : i32
          %dma_start3A_401 = arith.constant 0 : i32
          %dma_start3A_402 = tpu.memref_slice %arg8[%dma_start3A_400, %dma_start3A_401] : memref<200x64xf32, #tpu.memory_space<vmem>> -> memref<72x64xf32, #tpu.memory_space<vmem>>
          %dma_start3A_403 = arith.constant 128 : i32
          %dma_start3A_404 = tpu.memref_slice %arg5[%add3A_390, %dma_start3A_403] : memref<64x208xi32, #tpu.memory_space<vmem>> -> memref<1x72xi32, #tpu.memory_space<vmem>>
          %dma_start3A_405 = tpu.memref_squeeze %dma_start3A_404 : memref<1x72xi32, #tpu.memory_space<vmem>> -> memref<72xi32, #tpu.memory_space<vmem>>
          %dma_start3A_406 = arith.constant 0 : i32
          %dma_start3A_407 = arith.constant 0 : i32
          %dma_start3A_408 = tpu.memref_slice %arg3[%dma_start3A_406, %dma_start3A_407] : memref<1000001x64xf32, #tpu.memory_space<hbm>> -> memref<1000001x64xf32, #tpu.memory_space<hbm>>
          tpu.enqueue_indirect_dma source(%dma_start3A_408 : memref<1000001x64xf32, #tpu.memory_space<hbm>>) target(%dma_start3A_402 : memref<72x64xf32, #tpu.memory_space<vmem>>) offsets(%dma_start3A_405 : memref<72xi32, #tpu.memory_space<vmem>>) semaphore(%arg14 : memref<!tpu.dma_semaphore, #tpu.memory_space<semaphore_mem>>)
        } else {
        }
        %broadcast_in_dim3A_202 = arith.constant 0.000000e+00 : f32
        %broadcast_in_dim3A_203 = vector.broadcast %broadcast_in_dim3A_202 : f32 to vector<16xf32>
        %scan3A_204 = arith.constant 0 : i32
        %scan3A_205 = arith.constant 100 : i32
        %scan3A_206 = arith.addi %scan3A_204, %scan3A_205 : i32
        %scan3A_207 = arith.constant 4 : i32
        %scan3A_208:8 = scf.for %scan3A_389 = %scan3A_204 to %scan3A_206 step %scan3A_207 iter_args(%scan3A_390 = %broadcast_in_dim3A_203, %scan3A_391 = %broadcast_in_dim3A_203, %scan3A_392 = %broadcast_in_dim3A_203, %scan3A_393 = %broadcast_in_dim3A_203, %scan3A_394 = %broadcast_in_dim3A_203, %scan3A_395 = %broadcast_in_dim3A_203, %scan3A_396 = %broadcast_in_dim3A_203, %scan3A_397 = %broadcast_in_dim3A_203) -> (vector<16xf32>, vector<16xf32>, vector<16xf32>, vector<16xf32>, vector<16xf32>, vector<16xf32>, vector<16xf32>, vector<16xf32>)  : i32 {
          %mul3A_398 = arith.constant 2 : i32
          %mul3A_399 = arith.muli %mul3A_398, %scan3A_389 : i32
          %get3A = arith.index_cast %mul3A_399 : i32 to index
          %get3A_400 = arith.constant 0 : index
          %get3A_401 = tpu.vector_load %arg8[%get3A, %get3A_400] {strides = array<i32>} : memref<200x64xf32, #tpu.memory_space<vmem>>, vector<1x16xf32>,
          %get3A_402 = vector.shape_cast %get3A_401 : vector<1x16xf32> to vector<16xf32>
          %add3A_403 = arith.addf %scan3A_390, %get3A_402 : vector<16xf32>
          %mul3A_404 = arith.constant 2 : i32
          %mul3A_405 = arith.muli %mul3A_404, %scan3A_389 : i32
          %get3A_406 = arith.index_cast %mul3A_405 : i32 to index
          %get3A_407 = arith.constant 16 : index
          %get3A_408 = tpu.vector_load %arg8[%get3A_406, %get3A_407] {strides = array<i32>} : memref<200x64xf32, #tpu.memory_space<vmem>>, vector<1x16xf32>,
          %get3A_409 = vector.shape_cast %get3A_408 : vector<1x16xf32> to vector<16xf32>
          %add3A_410 = arith.addf %scan3A_391, %get3A_409 : vector<16xf32>
          %mul3A_411 = arith.constant 2 : i32
          %mul3A_412 = arith.muli %mul3A_411, %scan3A_389 : i32
          %get3A_413 = arith.index_cast %mul3A_412 : i32 to index
          %get3A_414 = arith.constant 32 : index
          %get3A_415 = tpu.vector_load %arg8[%get3A_413, %get3A_414] {strides = array<i32>} : memref<200x64xf32, #tpu.memory_space<vmem>>, vector<1x16xf32>,
          %get3A_416 = vector.shape_cast %get3A_415 : vector<1x16xf32> to vector<16xf32>
          %add3A_417 = arith.addf %scan3A_392, %get3A_416 : vector<16xf32>
          %mul3A_418 = arith.constant 2 : i32
          %mul3A_419 = arith.muli %mul3A_418, %scan3A_389 : i32
          %get3A_420 = arith.index_cast %mul3A_419 : i32 to index
          %get3A_421 = arith.constant 48 : index
          %get3A_422 = tpu.vector_load %arg8[%get3A_420, %get3A_421] {strides = array<i32>} : memref<200x64xf32, #tpu.memory_space<vmem>>, vector<1x16xf32>,
          %get3A_423 = vector.shape_cast %get3A_422 : vector<1x16xf32> to vector<16xf32>
          %add3A_424 = arith.addf %scan3A_393, %get3A_423 : vector<16xf32>
          %mul3A_425 = arith.constant 2 : i32
          %mul3A_426 = arith.muli %mul3A_425, %scan3A_389 : i32
          %add3A_427 = arith.constant 1 : i32
          %add3A_428 = arith.addi %mul3A_426, %add3A_427 : i32
          %get3A_429 = arith.index_cast %add3A_428 : i32 to index
          %get3A_430 = arith.constant 0 : index
          %get3A_431 = tpu.vector_load %arg8[%get3A_429, %get3A_430] {strides = array<i32>} : memref<200x64xf32, #tpu.memory_space<vmem>>, vector<1x16xf32>,
          %get3A_432 = vector.shape_cast %get3A_431 : vector<1x16xf32> to vector<16xf32>
          %add3A_433 = arith.addf %scan3A_394, %get3A_432 : vector<16xf32>
          %mul3A_434 = arith.constant 2 : i32
          %mul3A_435 = arith.muli %mul3A_434, %scan3A_389 : i32
          %add3A_436 = arith.constant 1 : i32
          %add3A_437 = arith.addi %mul3A_435, %add3A_436 : i32
          %get3A_438 = arith.index_cast %add3A_437 : i32 to index
          %get3A_439 = arith.constant 16 : index
          %get3A_440 = tpu.vector_load %arg8[%get3A_438, %get3A_439] {strides = array<i32>} : memref<200x64xf32, #tpu.memory_space<vmem>>, vector<1x16xf32>,
          %get3A_441 = vector.shape_cast %get3A_440 : vector<1x16xf32> to vector<16xf32>
          %add3A_442 = arith.addf %scan3A_395, %get3A_441 : vector<16xf32>
          %mul3A_443 = arith.constant 2 : i32
          %mul3A_444 = arith.muli %mul3A_443, %scan3A_389 : i32
          %add3A_445 = arith.constant 1 : i32
          %add3A_446 = arith.addi %mul3A_444, %add3A_445 : i32
          %get3A_447 = arith.index_cast %add3A_446 : i32 to index
          %get3A_448 = arith.constant 32 : index
          %get3A_449 = tpu.vector_load %arg8[%get3A_447, %get3A_448] {strides = array<i32>} : memref<200x64xf32, #tpu.memory_space<vmem>>, vector<1x16xf32>,
          %get3A_450 = vector.shape_cast %get3A_449 : vector<1x16xf32> to vector<16xf32>
          %add3A_451 = arith.addf %scan3A_396, %get3A_450 : vector<16xf32>
          %mul3A_452 = arith.constant 2 : i32
          %mul3A_453 = arith.muli %mul3A_452, %scan3A_389 : i32
          %add3A_454 = arith.constant 1 : i32
          %add3A_455 = arith.addi %mul3A_453, %add3A_454 : i32
          %get3A_456 = arith.index_cast %add3A_455 : i32 to index
          %get3A_457 = arith.constant 48 : index
          %get3A_458 = tpu.vector_load %arg8[%get3A_456, %get3A_457] {strides = array<i32>} : memref<200x64xf32, #tpu.memory_space<vmem>>, vector<1x16xf32>,
          %get3A_459 = vector.shape_cast %get3A_458 : vector<1x16xf32> to vector<16xf32>
          %add3A_460 = arith.addf %scan3A_397, %get3A_459 : vector<16xf32>
          %scan3A_461 = arith.constant 1 : i32
          %scan3A_462 = arith.addi %scan3A_389, %scan3A_461 : i32
          %mul3A_463 = arith.constant 2 : i32
          %mul3A_464 = arith.muli %mul3A_463, %scan3A_462 : i32
          %get3A_465 = arith.index_cast %mul3A_464 : i32 to index
          %get3A_466 = arith.constant 0 : index
          %get3A_467 = tpu.vector_load %arg8[%get3A_465, %get3A_466] {strides = array<i32>} : memref<200x64xf32, #tpu.memory_space<vmem>>, vector<1x16xf32>,
          %get3A_468 = vector.shape_cast %get3A_467 : vector<1x16xf32> to vector<16xf32>
          %add3A_469 = arith.addf %add3A_403, %get3A_468 : vector<16xf32>
          %mul3A_470 = arith.constant 2 : i32
          %mul3A_471 = arith.muli %mul3A_470, %scan3A_462 : i32
          %get3A_472 = arith.index_cast %mul3A_471 : i32 to index
          %get3A_473 = arith.constant 16 : index
          %get3A_474 = tpu.vector_load %arg8[%get3A_472, %get3A_473] {strides = array<i32>} : memref<200x64xf32, #tpu.memory_space<vmem>>, vector<1x16xf32>,
          %get3A_475 = vector.shape_cast %get3A_474 : vector<1x16xf32> to vector<16xf32>
          %add3A_476 = arith.addf %add3A_410, %get3A_475 : vector<16xf32>
          %mul3A_477 = arith.constant 2 : i32
          %mul3A_478 = arith.muli %mul3A_477, %scan3A_462 : i32
          %get3A_479 = arith.index_cast %mul3A_478 : i32 to index
          %get3A_480 = arith.constant 32 : index
          %get3A_481 = tpu.vector_load %arg8[%get3A_479, %get3A_480] {strides = array<i32>} : memref<200x64xf32, #tpu.memory_space<vmem>>, vector<1x16xf32>,
          %get3A_482 = vector.shape_cast %get3A_481 : vector<1x16xf32> to vector<16xf32>
          %add3A_483 = arith.addf %add3A_417, %get3A_482 : vector<16xf32>
          %mul3A_484 = arith.constant 2 : i32
          %mul3A_485 = arith.muli %mul3A_484, %scan3A_462 : i32
          %get3A_486 = arith.index_cast %mul3A_485 : i32 to index
          %get3A_487 = arith.constant 48 : index
          %get3A_488 = tpu.vector_load %arg8[%get3A_486, %get3A_487] {strides = array<i32>} : memref<200x64xf32, #tpu.memory_space<vmem>>, vector<1x16xf32>,
          %get3A_489 = vector.shape_cast %get3A_488 : vector<1x16xf32> to vector<16xf32>
          %add3A_490 = arith.addf %add3A_424, %get3A_489 : vector<16xf32>
          %mul3A_491 = arith.constant 2 : i32
          %mul3A_492 = arith.muli %mul3A_491, %scan3A_462 : i32
          %add3A_493 = arith.constant 1 : i32
          %add3A_494 = arith.addi %mul3A_492, %add3A_493 : i32
          %get3A_495 = arith.index_cast %add3A_494 : i32 to index
          %get3A_496 = arith.constant 0 : index
          %get3A_497 = tpu.vector_load %arg8[%get3A_495, %get3A_496] {strides = array<i32>} : memref<200x64xf32, #tpu.memory_space<vmem>>, vector<1x16xf32>,
          %get3A_498 = vector.shape_cast %get3A_497 : vector<1x16xf32> to vector<16xf32>
          %add3A_499 = arith.addf %add3A_433, %get3A_498 : vector<16xf32>
          %mul3A_500 = arith.constant 2 : i32
          %mul3A_501 = arith.muli %mul3A_500, %scan3A_462 : i32
          %add3A_502 = arith.constant 1 : i32
          %add3A_503 = arith.addi %mul3A_501, %add3A_502 : i32
          %get3A_504 = arith.index_cast %add3A_503 : i32 to index
          %get3A_505 = arith.constant 16 : index
          %get3A_506 = tpu.vector_load %arg8[%get3A_504, %get3A_505] {strides = array<i32>} : memref<200x64xf32, #tpu.memory_space<vmem>>, vector<1x16xf32>,
          %get3A_507 = vector.shape_cast %get3A_506 : vector<1x16xf32> to vector<16xf32>
          %add3A_508 = arith.addf %add3A_442, %get3A_507 : vector<16xf32>
          %mul3A_509 = arith.constant 2 : i32
          %mul3A_510 = arith.muli %mul3A_509, %scan3A_462 : i32
          %add3A_511 = arith.constant 1 : i32
          %add3A_512 = arith.addi %mul3A_510, %add3A_511 : i32
          %get3A_513 = arith.index_cast %add3A_512 : i32 to index
          %get3A_514 = arith.constant 32 : index
          %get3A_515 = tpu.vector_load %arg8[%get3A_513, %get3A_514] {strides = array<i32>} : memref<200x64xf32, #tpu.memory_space<vmem>>, vector<1x16xf32>,
          %get3A_516 = vector.shape_cast %get3A_515 : vector<1x16xf32> to vector<16xf32>
          %add3A_517 = arith.addf %add3A_451, %get3A_516 : vector<16xf32>
          %mul3A_518 = arith.constant 2 : i32
          %mul3A_519 = arith.muli %mul3A_518, %scan3A_462 : i32
          %add3A_520 = arith.constant 1 : i32
          %add3A_521 = arith.addi %mul3A_519, %add3A_520 : i32
          %get3A_522 = arith.index_cast %add3A_521 : i32 to index
          %get3A_523 = arith.constant 48 : index
          %get3A_524 = tpu.vector_load %arg8[%get3A_522, %get3A_523] {strides = array<i32>} : memref<200x64xf32, #tpu.memory_space<vmem>>, vector<1x16xf32>,
          %get3A_525 = vector.shape_cast %get3A_524 : vector<1x16xf32> to vector<16xf32>
          %add3A_526 = arith.addf %add3A_460, %get3A_525 : vector<16xf32>
          %scan3A_527 = arith.constant 2 : i32
          %scan3A_528 = arith.addi %scan3A_389, %scan3A_527 : i32
          %mul3A_529 = arith.constant 2 : i32
          %mul3A_530 = arith.muli %mul3A_529, %scan3A_528 : i32
          %get3A_531 = arith.index_cast %mul3A_530 : i32 to index
          %get3A_532 = arith.constant 0 : index
          %get3A_533 = tpu.vector_load %arg8[%get3A_531, %get3A_532] {strides = array<i32>} : memref<200x64xf32, #tpu.memory_space<vmem>>, vector<1x16xf32>,
          %get3A_534 = vector.shape_cast %get3A_533 : vector<1x16xf32> to vector<16xf32>
          %add3A_535 = arith.addf %add3A_469, %get3A_534 : vector<16xf32>
          %mul3A_536 = arith.constant 2 : i32
          %mul3A_537 = arith.muli %mul3A_536, %scan3A_528 : i32
          %get3A_538 = arith.index_cast %mul3A_537 : i32 to index
          %get3A_539 = arith.constant 16 : index
          %get3A_540 = tpu.vector_load %arg8[%get3A_538, %get3A_539] {strides = array<i32>} : memref<200x64xf32, #tpu.memory_space<vmem>>, vector<1x16xf32>,
          %get3A_541 = vector.shape_cast %get3A_540 : vector<1x16xf32> to vector<16xf32>
          %add3A_542 = arith.addf %add3A_476, %get3A_541 : vector<16xf32>
          %mul3A_543 = arith.constant 2 : i32
          %mul3A_544 = arith.muli %mul3A_543, %scan3A_528 : i32
          %get3A_545 = arith.index_cast %mul3A_544 : i32 to index
          %get3A_546 = arith.constant 32 : index
          %get3A_547 = tpu.vector_load %arg8[%get3A_545, %get3A_546] {strides = array<i32>} : memref<200x64xf32, #tpu.memory_space<vmem>>, vector<1x16xf32>,
          %get3A_548 = vector.shape_cast %get3A_547 : vector<1x16xf32> to vector<16xf32>
          %add3A_549 = arith.addf %add3A_483, %get3A_548 : vector<16xf32>
          %mul3A_550 = arith.constant 2 : i32
          %mul3A_551 = arith.muli %mul3A_550, %scan3A_528 : i32
          %get3A_552 = arith.index_cast %mul3A_551 : i32 to index
          %get3A_553 = arith.constant 48 : index
          %get3A_554 = tpu.vector_load %arg8[%get3A_552, %get3A_553] {strides = array<i32>} : memref<200x64xf32, #tpu.memory_space<vmem>>, vector<1x16xf32>,
          %get3A_555 = vector.shape_cast %get3A_554 : vector<1x16xf32> to vector<16xf32>
          %add3A_556 = arith.addf %add3A_490, %get3A_555 : vector<16xf32>
          %mul3A_557 = arith.constant 2 : i32
          %mul3A_558 = arith.muli %mul3A_557, %scan3A_528 : i32
          %add3A_559 = arith.constant 1 : i32
          %add3A_560 = arith.addi %mul3A_558, %add3A_559 : i32
          %get3A_561 = arith.index_cast %add3A_560 : i32 to index
          %get3A_562 = arith.constant 0 : index
          %get3A_563 = tpu.vector_load %arg8[%get3A_561, %get3A_562] {strides = array<i32>} : memref<200x64xf32, #tpu.memory_space<vmem>>, vector<1x16xf32>,
          %get3A_564 = vector.shape_cast %get3A_563 : vector<1x16xf32> to vector<16xf32>
          %add3A_565 = arith.addf %add3A_499, %get3A_564 : vector<16xf32>
          %mul3A_566 = arith.constant 2 : i32
          %mul3A_567 = arith.muli %mul3A_566, %scan3A_528 : i32
          %add3A_568 = arith.constant 1 : i32
          %add3A_569 = arith.addi %mul3A_567, %add3A_568 : i32
          %get3A_570 = arith.index_cast %add3A_569 : i32 to index
          %get3A_571 = arith.constant 16 : index
          %get3A_572 = tpu.vector_load %arg8[%get3A_570, %get3A_571] {strides = array<i32>} : memref<200x64xf32, #tpu.memory_space<vmem>>, vector<1x16xf32>,
          %get3A_573 = vector.shape_cast %get3A_572 : vector<1x16xf32> to vector<16xf32>
          %add3A_574 = arith.addf %add3A_508, %get3A_573 : vector<16xf32>
          %mul3A_575 = arith.constant 2 : i32
          %mul3A_576 = arith.muli %mul3A_575, %scan3A_528 : i32
          %add3A_577 = arith.constant 1 : i32
          %add3A_578 = arith.addi %mul3A_576, %add3A_577 : i32
          %get3A_579 = arith.index_cast %add3A_578 : i32 to index
          %get3A_580 = arith.constant 32 : index
          %get3A_581 = tpu.vector_load %arg8[%get3A_579, %get3A_580] {strides = array<i32>} : memref<200x64xf32, #tpu.memory_space<vmem>>, vector<1x16xf32>,
          %get3A_582 = vector.shape_cast %get3A_581 : vector<1x16xf32> to vector<16xf32>
          %add3A_583 = arith.addf %add3A_517, %get3A_582 : vector<16xf32>
          %mul3A_584 = arith.constant 2 : i32
          %mul3A_585 = arith.muli %mul3A_584, %scan3A_528 : i32
          %add3A_586 = arith.constant 1 : i32
          %add3A_587 = arith.addi %mul3A_585, %add3A_586 : i32
          %get3A_588 = arith.index_cast %add3A_587 : i32 to index
          %get3A_589 = arith.constant 48 : index
          %get3A_590 = tpu.vector_load %arg8[%get3A_588, %get3A_589] {strides = array<i32>} : memref<200x64xf32, #tpu.memory_space<vmem>>, vector<1x16xf32>,
          %get3A_591 = vector.shape_cast %get3A_590 : vector<1x16xf32> to vector<16xf32>
          %add3A_592 = arith.addf %add3A_526, %get3A_591 : vector<16xf32>
          %scan3A_593 = arith.constant 3 : i32
          %scan3A_594 = arith.addi %scan3A_389, %scan3A_593 : i32
          %mul3A_595 = arith.constant 2 : i32
          %mul3A_596 = arith.muli %mul3A_595, %scan3A_594 : i32
          %get3A_597 = arith.index_cast %mul3A_596 : i32 to index
          %get3A_598 = arith.constant 0 : index
          %get3A_599 = tpu.vector_load %arg8[%get3A_597, %get3A_598] {strides = array<i32>} : memref<200x64xf32, #tpu.memory_space<vmem>>, vector<1x16xf32>,
          %get3A_600 = vector.shape_cast %get3A_599 : vector<1x16xf32> to vector<16xf32>
          %add3A_601 = arith.addf %add3A_535, %get3A_600 : vector<16xf32>
          %mul3A_602 = arith.constant 2 : i32
          %mul3A_603 = arith.muli %mul3A_602, %scan3A_594 : i32
          %get3A_604 = arith.index_cast %mul3A_603 : i32 to index
          %get3A_605 = arith.constant 16 : index
          %get3A_606 = tpu.vector_load %arg8[%get3A_604, %get3A_605] {strides = array<i32>} : memref<200x64xf32, #tpu.memory_space<vmem>>, vector<1x16xf32>,
          %get3A_607 = vector.shape_cast %get3A_606 : vector<1x16xf32> to vector<16xf32>
          %add3A_608 = arith.addf %add3A_542, %get3A_607 : vector<16xf32>
          %mul3A_609 = arith.constant 2 : i32
          %mul3A_610 = arith.muli %mul3A_609, %scan3A_594 : i32
          %get3A_611 = arith.index_cast %mul3A_610 : i32 to index
          %get3A_612 = arith.constant 32 : index
          %get3A_613 = tpu.vector_load %arg8[%get3A_611, %get3A_612] {strides = array<i32>} : memref<200x64xf32, #tpu.memory_space<vmem>>, vector<1x16xf32>,
          %get3A_614 = vector.shape_cast %get3A_613 : vector<1x16xf32> to vector<16xf32>
          %add3A_615 = arith.addf %add3A_549, %get3A_614 : vector<16xf32>
          %mul3A_616 = arith.constant 2 : i32
          %mul3A_617 = arith.muli %mul3A_616, %scan3A_594 : i32
          %get3A_618 = arith.index_cast %mul3A_617 : i32 to index
          %get3A_619 = arith.constant 48 : index
          %get3A_620 = tpu.vector_load %arg8[%get3A_618, %get3A_619] {strides = array<i32>} : memref<200x64xf32, #tpu.memory_space<vmem>>, vector<1x16xf32>,
          %get3A_621 = vector.shape_cast %get3A_620 : vector<1x16xf32> to vector<16xf32>
          %add3A_622 = arith.addf %add3A_556, %get3A_621 : vector<16xf32>
          %mul3A_623 = arith.constant 2 : i32
          %mul3A_624 = arith.muli %mul3A_623, %scan3A_594 : i32
          %add3A_625 = arith.constant 1 : i32
          %add3A_626 = arith.addi %mul3A_624, %add3A_625 : i32
          %get3A_627 = arith.index_cast %add3A_626 : i32 to index
          %get3A_628 = arith.constant 0 : index
          %get3A_629 = tpu.vector_load %arg8[%get3A_627, %get3A_628] {strides = array<i32>} : memref<200x64xf32, #tpu.memory_space<vmem>>, vector<1x16xf32>,
          %get3A_630 = vector.shape_cast %get3A_629 : vector<1x16xf32> to vector<16xf32>
          %add3A_631 = arith.addf %add3A_565, %get3A_630 : vector<16xf32>
          %mul3A_632 = arith.constant 2 : i32
          %mul3A_633 = arith.muli %mul3A_632, %scan3A_594 : i32
          %add3A_634 = arith.constant 1 : i32
          %add3A_635 = arith.addi %mul3A_633, %add3A_634 : i32
          %get3A_636 = arith.index_cast %add3A_635 : i32 to index
          %get3A_637 = arith.constant 16 : index
          %get3A_638 = tpu.vector_load %arg8[%get3A_636, %get3A_637] {strides = array<i32>} : memref<200x64xf32, #tpu.memory_space<vmem>>, vector<1x16xf32>,
          %get3A_639 = vector.shape_cast %get3A_638 : vector<1x16xf32> to vector<16xf32>
          %add3A_640 = arith.addf %add3A_574, %get3A_639 : vector<16xf32>
          %mul3A_641 = arith.constant 2 : i32
          %mul3A_642 = arith.muli %mul3A_641, %scan3A_594 : i32
          %add3A_643 = arith.constant 1 : i32
          %add3A_644 = arith.addi %mul3A_642, %add3A_643 : i32
          %get3A_645 = arith.index_cast %add3A_644 : i32 to index
          %get3A_646 = arith.constant 32 : index
          %get3A_647 = tpu.vector_load %arg8[%get3A_645, %get3A_646] {strides = array<i32>} : memref<200x64xf32, #tpu.memory_space<vmem>>, vector<1x16xf32>,
          %get3A_648 = vector.shape_cast %get3A_647 : vector<1x16xf32> to vector<16xf32>
          %add3A_649 = arith.addf %add3A_583, %get3A_648 : vector<16xf32>
          %mul3A_650 = arith.constant 2 : i32
          %mul3A_651 = arith.muli %mul3A_650, %scan3A_594 : i32
          %add3A_652 = arith.constant 1 : i32
          %add3A_653 = arith.addi %mul3A_651, %add3A_652 : i32
          %get3A_654 = arith.index_cast %add3A_653 : i32 to index
          %get3A_655 = arith.constant 48 : index
          %get3A_656 = tpu.vector_load %arg8[%get3A_654, %get3A_655] {strides = array<i32>} : memref<200x64xf32, #tpu.memory_space<vmem>>, vector<1x16xf32>,
          %get3A_657 = vector.shape_cast %get3A_656 : vector<1x16xf32> to vector<16xf32>
          %add3A_658 = arith.addf %add3A_592, %get3A_657 : vector<16xf32>
          scf.yield %add3A_601, %add3A_608, %add3A_615, %add3A_622, %add3A_631, %add3A_640, %add3A_649, %add3A_658 : vector<16xf32>, vector<16xf32>, vector<16xf32>, vector<16xf32>, vector<16xf32>, vector<16xf32>, vector<16xf32>, vector<16xf32>
        }
        %scan3A_209 = arith.constant 100 : i32
        %add3A_210 = arith.addf %scan3A_208#0, %scan3A_208#4 : vector<16xf32>
        %mul3A_211 = arith.constant 5.000000e-03 : f32
        %mul3A_212 = vector.broadcast %mul3A_211 : f32 to vector<16xf32>
        %mul3A_213 = arith.mulf %add3A_210, %mul3A_212 : vector<16xf32>
        %swap3A_214 = arith.index_cast %add3A_178 : i32 to index
        %swap3A_215 = arith.constant 0 : index
        %swap3A_216 = tpu.vector_load %arg6[%swap3A_214, %swap3A_215] {strides = array<i32>} : memref<64x64xf32, #tpu.memory_space<vmem>>, vector<1x16xf32>,
        %swap3A_217 = vector.shape_cast %swap3A_216 : vector<1x16xf32> to vector<16xf32>
        %swap3A_218 = vector.shape_cast %mul3A_213 : vector<16xf32> to vector<1x16xf32>
        tpu.vector_store %arg6[%swap3A_214, %swap3A_215], %swap3A_218 {strides = array<i32>} : memref<64x64xf32, #tpu.memory_space<vmem>>, vector<1x16xf32>,
        %add3A_219 = arith.addf %scan3A_208#1, %scan3A_208#5 : vector<16xf32>
        %mul3A_220 = arith.constant 5.000000e-03 : f32
        %mul3A_221 = vector.broadcast %mul3A_220 : f32 to vector<16xf32>
        %mul3A_222 = arith.mulf %add3A_219, %mul3A_221 : vector<16xf32>
        %swap3A_223 = arith.index_cast %add3A_178 : i32 to index
        %swap3A_224 = arith.constant 16 : index
        %swap3A_225 = tpu.vector_load %arg6[%swap3A_223, %swap3A_224] {strides = array<i32>} : memref<64x64xf32, #tpu.memory_space<vmem>>, vector<1x16xf32>,
        %swap3A_226 = vector.shape_cast %swap3A_225 : vector<1x16xf32> to vector<16xf32>
        %swap3A_227 = vector.shape_cast %mul3A_222 : vector<16xf32> to vector<1x16xf32>
        tpu.vector_store %arg6[%swap3A_223, %swap3A_224], %swap3A_227 {strides = array<i32>} : memref<64x64xf32, #tpu.memory_space<vmem>>, vector<1x16xf32>,
        %add3A_228 = arith.addf %scan3A_208#2, %scan3A_208#6 : vector<16xf32>
        %mul3A_229 = arith.constant 5.000000e-03 : f32
        %mul3A_230 = vector.broadcast %mul3A_229 : f32 to vector<16xf32>
        %mul3A_231 = arith.mulf %add3A_228, %mul3A_230 : vector<16xf32>
        %swap3A_232 = arith.index_cast %add3A_178 : i32 to index
        %swap3A_233 = arith.constant 32 : index
        %swap3A_234 = tpu.vector_load %arg6[%swap3A_232, %swap3A_233] {strides = array<i32>} : memref<64x64xf32, #tpu.memory_space<vmem>>, vector<1x16xf32>,
        %swap3A_235 = vector.shape_cast %swap3A_234 : vector<1x16xf32> to vector<16xf32>
        %swap3A_236 = vector.shape_cast %mul3A_231 : vector<16xf32> to vector<1x16xf32>
        tpu.vector_store %arg6[%swap3A_232, %swap3A_233], %swap3A_236 {strides = array<i32>} : memref<64x64xf32, #tpu.memory_space<vmem>>, vector<1x16xf32>,
        %add3A_237 = arith.addf %scan3A_208#3, %scan3A_208#7 : vector<16xf32>
        %mul3A_238 = arith.constant 5.000000e-03 : f32
        %mul3A_239 = vector.broadcast %mul3A_238 : f32 to vector<16xf32>
        %mul3A_240 = arith.mulf %add3A_237, %mul3A_239 : vector<16xf32>
        %swap3A_241 = arith.index_cast %add3A_178 : i32 to index
        %swap3A_242 = arith.constant 48 : index
        %swap3A_243 = tpu.vector_load %arg6[%swap3A_241, %swap3A_242] {strides = array<i32>} : memref<64x64xf32, #tpu.memory_space<vmem>>, vector<1x16xf32>,
        %swap3A_244 = vector.shape_cast %swap3A_243 : vector<1x16xf32> to vector<16xf32>
        %swap3A_245 = vector.shape_cast %mul3A_240 : vector<16xf32> to vector<1x16xf32>
        tpu.vector_store %arg6[%swap3A_241, %swap3A_242], %swap3A_245 {strides = array<i32>} : memref<64x64xf32, #tpu.memory_space<vmem>>, vector<1x16xf32>,
        %mul3A_246 = arith.constant 4 : i32
        %mul3A_247 = arith.muli %mul3A_246, %scan3A_108 : i32
        %add3A_248 = arith.constant 2 : i32
        %add3A_249 = arith.addi %mul3A_247, %add3A_248 : i32
        %dma_wait3A_250 = arith.constant 0 : i32
        %dma_wait3A_251 = arith.constant 0 : i32
        %dma_wait3A_252 = tpu.memref_slice %arg9[%dma_wait3A_250, %dma_wait3A_251] : memref<200x64xf32, #tpu.memory_space<vmem>> -> memref<128x64xf32, #tpu.memory_space<vmem>>
        %dma_wait3A_253 = arith.constant 0 : i32
        %dma_wait3A_254 = tpu.memref_slice %arg5[%add3A_249, %dma_wait3A_253] : memref<64x208xi32, #tpu.memory_space<vmem>> -> memref<1x128xi32, #tpu.memory_space<vmem>>
        %dma_wait3A_255 = tpu.memref_squeeze %dma_wait3A_254 : memref<1x128xi32, #tpu.memory_space<vmem>> -> memref<128xi32, #tpu.memory_space<vmem>>
        %dma_wait3A_256 = arith.constant 0 : i32
        %dma_wait3A_257 = arith.constant 0 : i32
        %dma_wait3A_258 = tpu.memref_slice %arg3[%dma_wait3A_256, %dma_wait3A_257] : memref<1000001x64xf32, #tpu.memory_space<hbm>> -> memref<1000001x64xf32, #tpu.memory_space<hbm>>
        tpu.wait_indirect_dma semaphore(%arg15 : memref<!tpu.dma_semaphore, #tpu.memory_space<semaphore_mem>>) src(%dma_wait3A_258 : memref<1000001x64xf32, #tpu.memory_space<hbm>>) dst(%dma_wait3A_252 : memref<128x64xf32, #tpu.memory_space<vmem>>)
        %dma_wait3A_259 = arith.constant 128 : i32
        %dma_wait3A_260 = arith.constant 0 : i32
        %dma_wait3A_261 = tpu.memref_slice %arg9[%dma_wait3A_259, %dma_wait3A_260] : memref<200x64xf32, #tpu.memory_space<vmem>> -> memref<72x64xf32, #tpu.memory_space<vmem>>
        %dma_wait3A_262 = arith.constant 128 : i32
        %dma_wait3A_263 = tpu.memref_slice %arg5[%add3A_249, %dma_wait3A_262] : memref<64x208xi32, #tpu.memory_space<vmem>> -> memref<1x72xi32, #tpu.memory_space<vmem>>
        %dma_wait3A_264 = tpu.memref_squeeze %dma_wait3A_263 : memref<1x72xi32, #tpu.memory_space<vmem>> -> memref<72xi32, #tpu.memory_space<vmem>>
        %dma_wait3A_265 = arith.constant 0 : i32
        %dma_wait3A_266 = arith.constant 0 : i32
        %dma_wait3A_267 = tpu.memref_slice %arg3[%dma_wait3A_265, %dma_wait3A_266] : memref<1000001x64xf32, #tpu.memory_space<hbm>> -> memref<1000001x64xf32, #tpu.memory_space<hbm>>
        tpu.wait_indirect_dma semaphore(%arg16 : memref<!tpu.dma_semaphore, #tpu.memory_space<semaphore_mem>>) src(%dma_wait3A_267 : memref<1000001x64xf32, #tpu.memory_space<hbm>>) dst(%dma_wait3A_261 : memref<72x64xf32, #tpu.memory_space<vmem>>)
        %lt3A_268 = arith.constant 15 : i32
        %lt3A_269 = arith.cmpi slt, %scan3A_108, %lt3A_268 : i32
        %convert_element_type3A_270 = arith.extui %lt3A_269 : i1 to i32
        %cond3A_271 = arith.constant 0 : i32
        %cond3A_272 = arith.cmpi ne, %convert_element_type3A_270, %cond3A_271 : i32
        scf.if %cond3A_272 {
          %add3A_389 = arith.constant 4 : i32
          %add3A_390 = arith.addi %add3A_249, %add3A_389 : i32
          %dma_start3A_391 = arith.constant 0 : i32
          %dma_start3A_392 = arith.constant 0 : i32
          %dma_start3A_393 = tpu.memref_slice %arg9[%dma_start3A_391, %dma_start3A_392] : memref<200x64xf32, #tpu.memory_space<vmem>> -> memref<128x64xf32, #tpu.memory_space<vmem>>
          %dma_start3A_394 = arith.constant 0 : i32
          %dma_start3A_395 = tpu.memref_slice %arg5[%add3A_390, %dma_start3A_394] : memref<64x208xi32, #tpu.memory_space<vmem>> -> memref<1x128xi32, #tpu.memory_space<vmem>>
          %dma_start3A_396 = tpu.memref_squeeze %dma_start3A_395 : memref<1x128xi32, #tpu.memory_space<vmem>> -> memref<128xi32, #tpu.memory_space<vmem>>
          %dma_start3A_397 = arith.constant 0 : i32
          %dma_start3A_398 = arith.constant 0 : i32
          %dma_start3A_399 = tpu.memref_slice %arg3[%dma_start3A_397, %dma_start3A_398] : memref<1000001x64xf32, #tpu.memory_space<hbm>> -> memref<1000001x64xf32, #tpu.memory_space<hbm>>
          tpu.enqueue_indirect_dma source(%dma_start3A_399 : memref<1000001x64xf32, #tpu.memory_space<hbm>>) target(%dma_start3A_393 : memref<128x64xf32, #tpu.memory_space<vmem>>) offsets(%dma_start3A_396 : memref<128xi32, #tpu.memory_space<vmem>>) semaphore(%arg15 : memref<!tpu.dma_semaphore, #tpu.memory_space<semaphore_mem>>)
          %dma_start3A_400 = arith.constant 128 : i32
          %dma_start3A_401 = arith.constant 0 : i32
          %dma_start3A_402 = tpu.memref_slice %arg9[%dma_start3A_400, %dma_start3A_401] : memref<200x64xf32, #tpu.memory_space<vmem>> -> memref<72x64xf32, #tpu.memory_space<vmem>>
          %dma_start3A_403 = arith.constant 128 : i32
          %dma_start3A_404 = tpu.memref_slice %arg5[%add3A_390, %dma_start3A_403] : memref<64x208xi32, #tpu.memory_space<vmem>> -> memref<1x72xi32, #tpu.memory_space<vmem>>
          %dma_start3A_405 = tpu.memref_squeeze %dma_start3A_404 : memref<1x72xi32, #tpu.memory_space<vmem>> -> memref<72xi32, #tpu.memory_space<vmem>>
          %dma_start3A_406 = arith.constant 0 : i32
          %dma_start3A_407 = arith.constant 0 : i32
          %dma_start3A_408 = tpu.memref_slice %arg3[%dma_start3A_406, %dma_start3A_407] : memref<1000001x64xf32, #tpu.memory_space<hbm>> -> memref<1000001x64xf32, #tpu.memory_space<hbm>>
          tpu.enqueue_indirect_dma source(%dma_start3A_408 : memref<1000001x64xf32, #tpu.memory_space<hbm>>) target(%dma_start3A_402 : memref<72x64xf32, #tpu.memory_space<vmem>>) offsets(%dma_start3A_405 : memref<72xi32, #tpu.memory_space<vmem>>) semaphore(%arg16 : memref<!tpu.dma_semaphore, #tpu.memory_space<semaphore_mem>>)
        } else {
        }
        %broadcast_in_dim3A_273 = arith.constant 0.000000e+00 : f32
        %broadcast_in_dim3A_274 = vector.broadcast %broadcast_in_dim3A_273 : f32 to vector<16xf32>
        %scan3A_275 = arith.constant 0 : i32
        %scan3A_276 = arith.constant 100 : i32
        %scan3A_277 = arith.addi %scan3A_275, %scan3A_276 : i32
        %scan3A_278 = arith.constant 4 : i32
        %scan3A_279:8 = scf.for %scan3A_389 = %scan3A_275 to %scan3A_277 step %scan3A_278 iter_args(%scan3A_390 = %broadcast_in_dim3A_274, %scan3A_391 = %broadcast_in_dim3A_274, %scan3A_392 = %broadcast_in_dim3A_274, %scan3A_393 = %broadcast_in_dim3A_274, %scan3A_394 = %broadcast_in_dim3A_274, %scan3A_395 = %broadcast_in_dim3A_274, %scan3A_396 = %broadcast_in_dim3A_274, %scan3A_397 = %broadcast_in_dim3A_274) -> (vector<16xf32>, vector<16xf32>, vector<16xf32>, vector<16xf32>, vector<16xf32>, vector<16xf32>, vector<16xf32>, vector<16xf32>)  : i32 {
          %mul3A_398 = arith.constant 2 : i32
          %mul3A_399 = arith.muli %mul3A_398, %scan3A_389 : i32
          %get3A = arith.index_cast %mul3A_399 : i32 to index
          %get3A_400 = arith.constant 0 : index
          %get3A_401 = tpu.vector_load %arg9[%get3A, %get3A_400] {strides = array<i32>} : memref<200x64xf32, #tpu.memory_space<vmem>>, vector<1x16xf32>,
          %get3A_402 = vector.shape_cast %get3A_401 : vector<1x16xf32> to vector<16xf32>
          %add3A_403 = arith.addf %scan3A_390, %get3A_402 : vector<16xf32>
          %mul3A_404 = arith.constant 2 : i32
          %mul3A_405 = arith.muli %mul3A_404, %scan3A_389 : i32
          %get3A_406 = arith.index_cast %mul3A_405 : i32 to index
          %get3A_407 = arith.constant 16 : index
          %get3A_408 = tpu.vector_load %arg9[%get3A_406, %get3A_407] {strides = array<i32>} : memref<200x64xf32, #tpu.memory_space<vmem>>, vector<1x16xf32>,
          %get3A_409 = vector.shape_cast %get3A_408 : vector<1x16xf32> to vector<16xf32>
          %add3A_410 = arith.addf %scan3A_391, %get3A_409 : vector<16xf32>
          %mul3A_411 = arith.constant 2 : i32
          %mul3A_412 = arith.muli %mul3A_411, %scan3A_389 : i32
          %get3A_413 = arith.index_cast %mul3A_412 : i32 to index
          %get3A_414 = arith.constant 32 : index
          %get3A_415 = tpu.vector_load %arg9[%get3A_413, %get3A_414] {strides = array<i32>} : memref<200x64xf32, #tpu.memory_space<vmem>>, vector<1x16xf32>,
          %get3A_416 = vector.shape_cast %get3A_415 : vector<1x16xf32> to vector<16xf32>
          %add3A_417 = arith.addf %scan3A_392, %get3A_416 : vector<16xf32>
          %mul3A_418 = arith.constant 2 : i32
          %mul3A_419 = arith.muli %mul3A_418, %scan3A_389 : i32
          %get3A_420 = arith.index_cast %mul3A_419 : i32 to index
          %get3A_421 = arith.constant 48 : index
          %get3A_422 = tpu.vector_load %arg9[%get3A_420, %get3A_421] {strides = array<i32>} : memref<200x64xf32, #tpu.memory_space<vmem>>, vector<1x16xf32>,
          %get3A_423 = vector.shape_cast %get3A_422 : vector<1x16xf32> to vector<16xf32>
          %add3A_424 = arith.addf %scan3A_393, %get3A_423 : vector<16xf32>
          %mul3A_425 = arith.constant 2 : i32
          %mul3A_426 = arith.muli %mul3A_425, %scan3A_389 : i32
          %add3A_427 = arith.constant 1 : i32
          %add3A_428 = arith.addi %mul3A_426, %add3A_427 : i32
          %get3A_429 = arith.index_cast %add3A_428 : i32 to index
          %get3A_430 = arith.constant 0 : index
          %get3A_431 = tpu.vector_load %arg9[%get3A_429, %get3A_430] {strides = array<i32>} : memref<200x64xf32, #tpu.memory_space<vmem>>, vector<1x16xf32>,
          %get3A_432 = vector.shape_cast %get3A_431 : vector<1x16xf32> to vector<16xf32>
          %add3A_433 = arith.addf %scan3A_394, %get3A_432 : vector<16xf32>
          %mul3A_434 = arith.constant 2 : i32
          %mul3A_435 = arith.muli %mul3A_434, %scan3A_389 : i32
          %add3A_436 = arith.constant 1 : i32
          %add3A_437 = arith.addi %mul3A_435, %add3A_436 : i32
          %get3A_438 = arith.index_cast %add3A_437 : i32 to index
          %get3A_439 = arith.constant 16 : index
          %get3A_440 = tpu.vector_load %arg9[%get3A_438, %get3A_439] {strides = array<i32>} : memref<200x64xf32, #tpu.memory_space<vmem>>, vector<1x16xf32>,
          %get3A_441 = vector.shape_cast %get3A_440 : vector<1x16xf32> to vector<16xf32>
          %add3A_442 = arith.addf %scan3A_395, %get3A_441 : vector<16xf32>
          %mul3A_443 = arith.constant 2 : i32
          %mul3A_444 = arith.muli %mul3A_443, %scan3A_389 : i32
          %add3A_445 = arith.constant 1 : i32
          %add3A_446 = arith.addi %mul3A_444, %add3A_445 : i32
          %get3A_447 = arith.index_cast %add3A_446 : i32 to index
          %get3A_448 = arith.constant 32 : index
          %get3A_449 = tpu.vector_load %arg9[%get3A_447, %get3A_448] {strides = array<i32>} : memref<200x64xf32, #tpu.memory_space<vmem>>, vector<1x16xf32>,
          %get3A_450 = vector.shape_cast %get3A_449 : vector<1x16xf32> to vector<16xf32>
          %add3A_451 = arith.addf %scan3A_396, %get3A_450 : vector<16xf32>
          %mul3A_452 = arith.constant 2 : i32
          %mul3A_453 = arith.muli %mul3A_452, %scan3A_389 : i32
          %add3A_454 = arith.constant 1 : i32
          %add3A_455 = arith.addi %mul3A_453, %add3A_454 : i32
          %get3A_456 = arith.index_cast %add3A_455 : i32 to index
          %get3A_457 = arith.constant 48 : index
          %get3A_458 = tpu.vector_load %arg9[%get3A_456, %get3A_457] {strides = array<i32>} : memref<200x64xf32, #tpu.memory_space<vmem>>, vector<1x16xf32>,
          %get3A_459 = vector.shape_cast %get3A_458 : vector<1x16xf32> to vector<16xf32>
          %add3A_460 = arith.addf %scan3A_397, %get3A_459 : vector<16xf32>
          %scan3A_461 = arith.constant 1 : i32
          %scan3A_462 = arith.addi %scan3A_389, %scan3A_461 : i32
          %mul3A_463 = arith.constant 2 : i32
          %mul3A_464 = arith.muli %mul3A_463, %scan3A_462 : i32
          %get3A_465 = arith.index_cast %mul3A_464 : i32 to index
          %get3A_466 = arith.constant 0 : index
          %get3A_467 = tpu.vector_load %arg9[%get3A_465, %get3A_466] {strides = array<i32>} : memref<200x64xf32, #tpu.memory_space<vmem>>, vector<1x16xf32>,
          %get3A_468 = vector.shape_cast %get3A_467 : vector<1x16xf32> to vector<16xf32>
          %add3A_469 = arith.addf %add3A_403, %get3A_468 : vector<16xf32>
          %mul3A_470 = arith.constant 2 : i32
          %mul3A_471 = arith.muli %mul3A_470, %scan3A_462 : i32
          %get3A_472 = arith.index_cast %mul3A_471 : i32 to index
          %get3A_473 = arith.constant 16 : index
          %get3A_474 = tpu.vector_load %arg9[%get3A_472, %get3A_473] {strides = array<i32>} : memref<200x64xf32, #tpu.memory_space<vmem>>, vector<1x16xf32>,
          %get3A_475 = vector.shape_cast %get3A_474 : vector<1x16xf32> to vector<16xf32>
          %add3A_476 = arith.addf %add3A_410, %get3A_475 : vector<16xf32>
          %mul3A_477 = arith.constant 2 : i32
          %mul3A_478 = arith.muli %mul3A_477, %scan3A_462 : i32
          %get3A_479 = arith.index_cast %mul3A_478 : i32 to index
          %get3A_480 = arith.constant 32 : index
          %get3A_481 = tpu.vector_load %arg9[%get3A_479, %get3A_480] {strides = array<i32>} : memref<200x64xf32, #tpu.memory_space<vmem>>, vector<1x16xf32>,
          %get3A_482 = vector.shape_cast %get3A_481 : vector<1x16xf32> to vector<16xf32>
          %add3A_483 = arith.addf %add3A_417, %get3A_482 : vector<16xf32>
          %mul3A_484 = arith.constant 2 : i32
          %mul3A_485 = arith.muli %mul3A_484, %scan3A_462 : i32
          %get3A_486 = arith.index_cast %mul3A_485 : i32 to index
          %get3A_487 = arith.constant 48 : index
          %get3A_488 = tpu.vector_load %arg9[%get3A_486, %get3A_487] {strides = array<i32>} : memref<200x64xf32, #tpu.memory_space<vmem>>, vector<1x16xf32>,
          %get3A_489 = vector.shape_cast %get3A_488 : vector<1x16xf32> to vector<16xf32>
          %add3A_490 = arith.addf %add3A_424, %get3A_489 : vector<16xf32>
          %mul3A_491 = arith.constant 2 : i32
          %mul3A_492 = arith.muli %mul3A_491, %scan3A_462 : i32
          %add3A_493 = arith.constant 1 : i32
          %add3A_494 = arith.addi %mul3A_492, %add3A_493 : i32
          %get3A_495 = arith.index_cast %add3A_494 : i32 to index
          %get3A_496 = arith.constant 0 : index
          %get3A_497 = tpu.vector_load %arg9[%get3A_495, %get3A_496] {strides = array<i32>} : memref<200x64xf32, #tpu.memory_space<vmem>>, vector<1x16xf32>,
          %get3A_498 = vector.shape_cast %get3A_497 : vector<1x16xf32> to vector<16xf32>
          %add3A_499 = arith.addf %add3A_433, %get3A_498 : vector<16xf32>
          %mul3A_500 = arith.constant 2 : i32
          %mul3A_501 = arith.muli %mul3A_500, %scan3A_462 : i32
          %add3A_502 = arith.constant 1 : i32
          %add3A_503 = arith.addi %mul3A_501, %add3A_502 : i32
          %get3A_504 = arith.index_cast %add3A_503 : i32 to index
          %get3A_505 = arith.constant 16 : index
          %get3A_506 = tpu.vector_load %arg9[%get3A_504, %get3A_505] {strides = array<i32>} : memref<200x64xf32, #tpu.memory_space<vmem>>, vector<1x16xf32>,
          %get3A_507 = vector.shape_cast %get3A_506 : vector<1x16xf32> to vector<16xf32>
          %add3A_508 = arith.addf %add3A_442, %get3A_507 : vector<16xf32>
          %mul3A_509 = arith.constant 2 : i32
          %mul3A_510 = arith.muli %mul3A_509, %scan3A_462 : i32
          %add3A_511 = arith.constant 1 : i32
          %add3A_512 = arith.addi %mul3A_510, %add3A_511 : i32
          %get3A_513 = arith.index_cast %add3A_512 : i32 to index
          %get3A_514 = arith.constant 32 : index
          %get3A_515 = tpu.vector_load %arg9[%get3A_513, %get3A_514] {strides = array<i32>} : memref<200x64xf32, #tpu.memory_space<vmem>>, vector<1x16xf32>,
          %get3A_516 = vector.shape_cast %get3A_515 : vector<1x16xf32> to vector<16xf32>
          %add3A_517 = arith.addf %add3A_451, %get3A_516 : vector<16xf32>
          %mul3A_518 = arith.constant 2 : i32
          %mul3A_519 = arith.muli %mul3A_518, %scan3A_462 : i32
          %add3A_520 = arith.constant 1 : i32
          %add3A_521 = arith.addi %mul3A_519, %add3A_520 : i32
          %get3A_522 = arith.index_cast %add3A_521 : i32 to index
          %get3A_523 = arith.constant 48 : index
          %get3A_524 = tpu.vector_load %arg9[%get3A_522, %get3A_523] {strides = array<i32>} : memref<200x64xf32, #tpu.memory_space<vmem>>, vector<1x16xf32>,
          %get3A_525 = vector.shape_cast %get3A_524 : vector<1x16xf32> to vector<16xf32>
          %add3A_526 = arith.addf %add3A_460, %get3A_525 : vector<16xf32>
          %scan3A_527 = arith.constant 2 : i32
          %scan3A_528 = arith.addi %scan3A_389, %scan3A_527 : i32
          %mul3A_529 = arith.constant 2 : i32
          %mul3A_530 = arith.muli %mul3A_529, %scan3A_528 : i32
          %get3A_531 = arith.index_cast %mul3A_530 : i32 to index
          %get3A_532 = arith.constant 0 : index
          %get3A_533 = tpu.vector_load %arg9[%get3A_531, %get3A_532] {strides = array<i32>} : memref<200x64xf32, #tpu.memory_space<vmem>>, vector<1x16xf32>,
          %get3A_534 = vector.shape_cast %get3A_533 : vector<1x16xf32> to vector<16xf32>
          %add3A_535 = arith.addf %add3A_469, %get3A_534 : vector<16xf32>
          %mul3A_536 = arith.constant 2 : i32
          %mul3A_537 = arith.muli %mul3A_536, %scan3A_528 : i32
          %get3A_538 = arith.index_cast %mul3A_537 : i32 to index
          %get3A_539 = arith.constant 16 : index
          %get3A_540 = tpu.vector_load %arg9[%get3A_538, %get3A_539] {strides = array<i32>} : memref<200x64xf32, #tpu.memory_space<vmem>>, vector<1x16xf32>,
          %get3A_541 = vector.shape_cast %get3A_540 : vector<1x16xf32> to vector<16xf32>
          %add3A_542 = arith.addf %add3A_476, %get3A_541 : vector<16xf32>
          %mul3A_543 = arith.constant 2 : i32
          %mul3A_544 = arith.muli %mul3A_543, %scan3A_528 : i32
          %get3A_545 = arith.index_cast %mul3A_544 : i32 to index
          %get3A_546 = arith.constant 32 : index
          %get3A_547 = tpu.vector_load %arg9[%get3A_545, %get3A_546] {strides = array<i32>} : memref<200x64xf32, #tpu.memory_space<vmem>>, vector<1x16xf32>,
          %get3A_548 = vector.shape_cast %get3A_547 : vector<1x16xf32> to vector<16xf32>
          %add3A_549 = arith.addf %add3A_483, %get3A_548 : vector<16xf32>
          %mul3A_550 = arith.constant 2 : i32
          %mul3A_551 = arith.muli %mul3A_550, %scan3A_528 : i32
          %get3A_552 = arith.index_cast %mul3A_551 : i32 to index
          %get3A_553 = arith.constant 48 : index
          %get3A_554 = tpu.vector_load %arg9[%get3A_552, %get3A_553] {strides = array<i32>} : memref<200x64xf32, #tpu.memory_space<vmem>>, vector<1x16xf32>,
          %get3A_555 = vector.shape_cast %get3A_554 : vector<1x16xf32> to vector<16xf32>
          %add3A_556 = arith.addf %add3A_490, %get3A_555 : vector<16xf32>
          %mul3A_557 = arith.constant 2 : i32
          %mul3A_558 = arith.muli %mul3A_557, %scan3A_528 : i32
          %add3A_559 = arith.constant 1 : i32
          %add3A_560 = arith.addi %mul3A_558, %add3A_559 : i32
          %get3A_561 = arith.index_cast %add3A_560 : i32 to index
          %get3A_562 = arith.constant 0 : index
          %get3A_563 = tpu.vector_load %arg9[%get3A_561, %get3A_562] {strides = array<i32>} : memref<200x64xf32, #tpu.memory_space<vmem>>, vector<1x16xf32>,
          %get3A_564 = vector.shape_cast %get3A_563 : vector<1x16xf32> to vector<16xf32>
          %add3A_565 = arith.addf %add3A_499, %get3A_564 : vector<16xf32>
          %mul3A_566 = arith.constant 2 : i32
          %mul3A_567 = arith.muli %mul3A_566, %scan3A_528 : i32
          %add3A_568 = arith.constant 1 : i32
          %add3A_569 = arith.addi %mul3A_567, %add3A_568 : i32
          %get3A_570 = arith.index_cast %add3A_569 : i32 to index
          %get3A_571 = arith.constant 16 : index
          %get3A_572 = tpu.vector_load %arg9[%get3A_570, %get3A_571] {strides = array<i32>} : memref<200x64xf32, #tpu.memory_space<vmem>>, vector<1x16xf32>,
          %get3A_573 = vector.shape_cast %get3A_572 : vector<1x16xf32> to vector<16xf32>
          %add3A_574 = arith.addf %add3A_508, %get3A_573 : vector<16xf32>
          %mul3A_575 = arith.constant 2 : i32
          %mul3A_576 = arith.muli %mul3A_575, %scan3A_528 : i32
          %add3A_577 = arith.constant 1 : i32
          %add3A_578 = arith.addi %mul3A_576, %add3A_577 : i32
          %get3A_579 = arith.index_cast %add3A_578 : i32 to index
          %get3A_580 = arith.constant 32 : index
          %get3A_581 = tpu.vector_load %arg9[%get3A_579, %get3A_580] {strides = array<i32>} : memref<200x64xf32, #tpu.memory_space<vmem>>, vector<1x16xf32>,
          %get3A_582 = vector.shape_cast %get3A_581 : vector<1x16xf32> to vector<16xf32>
          %add3A_583 = arith.addf %add3A_517, %get3A_582 : vector<16xf32>
          %mul3A_584 = arith.constant 2 : i32
          %mul3A_585 = arith.muli %mul3A_584, %scan3A_528 : i32
          %add3A_586 = arith.constant 1 : i32
          %add3A_587 = arith.addi %mul3A_585, %add3A_586 : i32
          %get3A_588 = arith.index_cast %add3A_587 : i32 to index
          %get3A_589 = arith.constant 48 : index
          %get3A_590 = tpu.vector_load %arg9[%get3A_588, %get3A_589] {strides = array<i32>} : memref<200x64xf32, #tpu.memory_space<vmem>>, vector<1x16xf32>,
          %get3A_591 = vector.shape_cast %get3A_590 : vector<1x16xf32> to vector<16xf32>
          %add3A_592 = arith.addf %add3A_526, %get3A_591 : vector<16xf32>
          %scan3A_593 = arith.constant 3 : i32
          %scan3A_594 = arith.addi %scan3A_389, %scan3A_593 : i32
          %mul3A_595 = arith.constant 2 : i32
          %mul3A_596 = arith.muli %mul3A_595, %scan3A_594 : i32
          %get3A_597 = arith.index_cast %mul3A_596 : i32 to index
          %get3A_598 = arith.constant 0 : index
          %get3A_599 = tpu.vector_load %arg9[%get3A_597, %get3A_598] {strides = array<i32>} : memref<200x64xf32, #tpu.memory_space<vmem>>, vector<1x16xf32>,
          %get3A_600 = vector.shape_cast %get3A_599 : vector<1x16xf32> to vector<16xf32>
          %add3A_601 = arith.addf %add3A_535, %get3A_600 : vector<16xf32>
          %mul3A_602 = arith.constant 2 : i32
          %mul3A_603 = arith.muli %mul3A_602, %scan3A_594 : i32
          %get3A_604 = arith.index_cast %mul3A_603 : i32 to index
          %get3A_605 = arith.constant 16 : index
          %get3A_606 = tpu.vector_load %arg9[%get3A_604, %get3A_605] {strides = array<i32>} : memref<200x64xf32, #tpu.memory_space<vmem>>, vector<1x16xf32>,
          %get3A_607 = vector.shape_cast %get3A_606 : vector<1x16xf32> to vector<16xf32>
          %add3A_608 = arith.addf %add3A_542, %get3A_607 : vector<16xf32>
          %mul3A_609 = arith.constant 2 : i32
          %mul3A_610 = arith.muli %mul3A_609, %scan3A_594 : i32
          %get3A_611 = arith.index_cast %mul3A_610 : i32 to index
          %get3A_612 = arith.constant 32 : index
          %get3A_613 = tpu.vector_load %arg9[%get3A_611, %get3A_612] {strides = array<i32>} : memref<200x64xf32, #tpu.memory_space<vmem>>, vector<1x16xf32>,
          %get3A_614 = vector.shape_cast %get3A_613 : vector<1x16xf32> to vector<16xf32>
          %add3A_615 = arith.addf %add3A_549, %get3A_614 : vector<16xf32>
          %mul3A_616 = arith.constant 2 : i32
          %mul3A_617 = arith.muli %mul3A_616, %scan3A_594 : i32
          %get3A_618 = arith.index_cast %mul3A_617 : i32 to index
          %get3A_619 = arith.constant 48 : index
          %get3A_620 = tpu.vector_load %arg9[%get3A_618, %get3A_619] {strides = array<i32>} : memref<200x64xf32, #tpu.memory_space<vmem>>, vector<1x16xf32>,
          %get3A_621 = vector.shape_cast %get3A_620 : vector<1x16xf32> to vector<16xf32>
          %add3A_622 = arith.addf %add3A_556, %get3A_621 : vector<16xf32>
          %mul3A_623 = arith.constant 2 : i32
          %mul3A_624 = arith.muli %mul3A_623, %scan3A_594 : i32
          %add3A_625 = arith.constant 1 : i32
          %add3A_626 = arith.addi %mul3A_624, %add3A_625 : i32
          %get3A_627 = arith.index_cast %add3A_626 : i32 to index
          %get3A_628 = arith.constant 0 : index
          %get3A_629 = tpu.vector_load %arg9[%get3A_627, %get3A_628] {strides = array<i32>} : memref<200x64xf32, #tpu.memory_space<vmem>>, vector<1x16xf32>,
          %get3A_630 = vector.shape_cast %get3A_629 : vector<1x16xf32> to vector<16xf32>
          %add3A_631 = arith.addf %add3A_565, %get3A_630 : vector<16xf32>
          %mul3A_632 = arith.constant 2 : i32
          %mul3A_633 = arith.muli %mul3A_632, %scan3A_594 : i32
          %add3A_634 = arith.constant 1 : i32
          %add3A_635 = arith.addi %mul3A_633, %add3A_634 : i32
          %get3A_636 = arith.index_cast %add3A_635 : i32 to index
          %get3A_637 = arith.constant 16 : index
          %get3A_638 = tpu.vector_load %arg9[%get3A_636, %get3A_637] {strides = array<i32>} : memref<200x64xf32, #tpu.memory_space<vmem>>, vector<1x16xf32>,
          %get3A_639 = vector.shape_cast %get3A_638 : vector<1x16xf32> to vector<16xf32>
          %add3A_640 = arith.addf %add3A_574, %get3A_639 : vector<16xf32>
          %mul3A_641 = arith.constant 2 : i32
          %mul3A_642 = arith.muli %mul3A_641, %scan3A_594 : i32
          %add3A_643 = arith.constant 1 : i32
          %add3A_644 = arith.addi %mul3A_642, %add3A_643 : i32
          %get3A_645 = arith.index_cast %add3A_644 : i32 to index
          %get3A_646 = arith.constant 32 : index
          %get3A_647 = tpu.vector_load %arg9[%get3A_645, %get3A_646] {strides = array<i32>} : memref<200x64xf32, #tpu.memory_space<vmem>>, vector<1x16xf32>,
          %get3A_648 = vector.shape_cast %get3A_647 : vector<1x16xf32> to vector<16xf32>
          %add3A_649 = arith.addf %add3A_583, %get3A_648 : vector<16xf32>
          %mul3A_650 = arith.constant 2 : i32
          %mul3A_651 = arith.muli %mul3A_650, %scan3A_594 : i32
          %add3A_652 = arith.constant 1 : i32
          %add3A_653 = arith.addi %mul3A_651, %add3A_652 : i32
          %get3A_654 = arith.index_cast %add3A_653 : i32 to index
          %get3A_655 = arith.constant 48 : index
          %get3A_656 = tpu.vector_load %arg9[%get3A_654, %get3A_655] {strides = array<i32>} : memref<200x64xf32, #tpu.memory_space<vmem>>, vector<1x16xf32>,
          %get3A_657 = vector.shape_cast %get3A_656 : vector<1x16xf32> to vector<16xf32>
          %add3A_658 = arith.addf %add3A_592, %get3A_657 : vector<16xf32>
          scf.yield %add3A_601, %add3A_608, %add3A_615, %add3A_622, %add3A_631, %add3A_640, %add3A_649, %add3A_658 : vector<16xf32>, vector<16xf32>, vector<16xf32>, vector<16xf32>, vector<16xf32>, vector<16xf32>, vector<16xf32>, vector<16xf32>
        }
        %scan3A_280 = arith.constant 100 : i32
        %add3A_281 = arith.addf %scan3A_279#0, %scan3A_279#4 : vector<16xf32>
        %mul3A_282 = arith.constant 5.000000e-03 : f32
        %mul3A_283 = vector.broadcast %mul3A_282 : f32 to vector<16xf32>
        %mul3A_284 = arith.mulf %add3A_281, %mul3A_283 : vector<16xf32>
        %swap3A_285 = arith.index_cast %add3A_249 : i32 to index
        %swap3A_286 = arith.constant 0 : index
        %swap3A_287 = tpu.vector_load %arg6[%swap3A_285, %swap3A_286] {strides = array<i32>} : memref<64x64xf32, #tpu.memory_space<vmem>>, vector<1x16xf32>,
        %swap3A_288 = vector.shape_cast %swap3A_287 : vector<1x16xf32> to vector<16xf32>
        %swap3A_289 = vector.shape_cast %mul3A_284 : vector<16xf32> to vector<1x16xf32>
        tpu.vector_store %arg6[%swap3A_285, %swap3A_286], %swap3A_289 {strides = array<i32>} : memref<64x64xf32, #tpu.memory_space<vmem>>, vector<1x16xf32>,
        %add3A_290 = arith.addf %scan3A_279#1, %scan3A_279#5 : vector<16xf32>
        %mul3A_291 = arith.constant 5.000000e-03 : f32
        %mul3A_292 = vector.broadcast %mul3A_291 : f32 to vector<16xf32>
        %mul3A_293 = arith.mulf %add3A_290, %mul3A_292 : vector<16xf32>
        %swap3A_294 = arith.index_cast %add3A_249 : i32 to index
        %swap3A_295 = arith.constant 16 : index
        %swap3A_296 = tpu.vector_load %arg6[%swap3A_294, %swap3A_295] {strides = array<i32>} : memref<64x64xf32, #tpu.memory_space<vmem>>, vector<1x16xf32>,
        %swap3A_297 = vector.shape_cast %swap3A_296 : vector<1x16xf32> to vector<16xf32>
        %swap3A_298 = vector.shape_cast %mul3A_293 : vector<16xf32> to vector<1x16xf32>
        tpu.vector_store %arg6[%swap3A_294, %swap3A_295], %swap3A_298 {strides = array<i32>} : memref<64x64xf32, #tpu.memory_space<vmem>>, vector<1x16xf32>,
        %add3A_299 = arith.addf %scan3A_279#2, %scan3A_279#6 : vector<16xf32>
        %mul3A_300 = arith.constant 5.000000e-03 : f32
        %mul3A_301 = vector.broadcast %mul3A_300 : f32 to vector<16xf32>
        %mul3A_302 = arith.mulf %add3A_299, %mul3A_301 : vector<16xf32>
        %swap3A_303 = arith.index_cast %add3A_249 : i32 to index
        %swap3A_304 = arith.constant 32 : index
        %swap3A_305 = tpu.vector_load %arg6[%swap3A_303, %swap3A_304] {strides = array<i32>} : memref<64x64xf32, #tpu.memory_space<vmem>>, vector<1x16xf32>,
        %swap3A_306 = vector.shape_cast %swap3A_305 : vector<1x16xf32> to vector<16xf32>
        %swap3A_307 = vector.shape_cast %mul3A_302 : vector<16xf32> to vector<1x16xf32>
        tpu.vector_store %arg6[%swap3A_303, %swap3A_304], %swap3A_307 {strides = array<i32>} : memref<64x64xf32, #tpu.memory_space<vmem>>, vector<1x16xf32>,
        %add3A_308 = arith.addf %scan3A_279#3, %scan3A_279#7 : vector<16xf32>
        %mul3A_309 = arith.constant 5.000000e-03 : f32
        %mul3A_310 = vector.broadcast %mul3A_309 : f32 to vector<16xf32>
        %mul3A_311 = arith.mulf %add3A_308, %mul3A_310 : vector<16xf32>
        %swap3A_312 = arith.index_cast %add3A_249 : i32 to index
        %swap3A_313 = arith.constant 48 : index
        %swap3A_314 = tpu.vector_load %arg6[%swap3A_312, %swap3A_313] {strides = array<i32>} : memref<64x64xf32, #tpu.memory_space<vmem>>, vector<1x16xf32>,
        %swap3A_315 = vector.shape_cast %swap3A_314 : vector<1x16xf32> to vector<16xf32>
        %swap3A_316 = vector.shape_cast %mul3A_311 : vector<16xf32> to vector<1x16xf32>
        tpu.vector_store %arg6[%swap3A_312, %swap3A_313], %swap3A_316 {strides = array<i32>} : memref<64x64xf32, #tpu.memory_space<vmem>>, vector<1x16xf32>,
        %mul3A_317 = arith.constant 4 : i32
        %mul3A_318 = arith.muli %mul3A_317, %scan3A_108 : i32
        %add3A_319 = arith.constant 3 : i32
        %add3A_320 = arith.addi %mul3A_318, %add3A_319 : i32
        %dma_wait3A_321 = arith.constant 0 : i32
        %dma_wait3A_322 = arith.constant 0 : i32
        %dma_wait3A_323 = tpu.memref_slice %arg10[%dma_wait3A_321, %dma_wait3A_322] : memref<200x64xf32, #tpu.memory_space<vmem>> -> memref<128x64xf32, #tpu.memory_space<vmem>>
        %dma_wait3A_324 = arith.constant 0 : i32
        %dma_wait3A_325 = tpu.memref_slice %arg5[%add3A_320, %dma_wait3A_324] : memref<64x208xi32, #tpu.memory_space<vmem>> -> memref<1x128xi32, #tpu.memory_space<vmem>>
        %dma_wait3A_326 = tpu.memref_squeeze %dma_wait3A_325 : memref<1x128xi32, #tpu.memory_space<vmem>> -> memref<128xi32, #tpu.memory_space<vmem>>
        %dma_wait3A_327 = arith.constant 0 : i32
        %dma_wait3A_328 = arith.constant 0 : i32
        %dma_wait3A_329 = tpu.memref_slice %arg3[%dma_wait3A_327, %dma_wait3A_328] : memref<1000001x64xf32, #tpu.memory_space<hbm>> -> memref<1000001x64xf32, #tpu.memory_space<hbm>>
        tpu.wait_indirect_dma semaphore(%arg17 : memref<!tpu.dma_semaphore, #tpu.memory_space<semaphore_mem>>) src(%dma_wait3A_329 : memref<1000001x64xf32, #tpu.memory_space<hbm>>) dst(%dma_wait3A_323 : memref<128x64xf32, #tpu.memory_space<vmem>>)
        %dma_wait3A_330 = arith.constant 128 : i32
        %dma_wait3A_331 = arith.constant 0 : i32
        %dma_wait3A_332 = tpu.memref_slice %arg10[%dma_wait3A_330, %dma_wait3A_331] : memref<200x64xf32, #tpu.memory_space<vmem>> -> memref<72x64xf32, #tpu.memory_space<vmem>>
        %dma_wait3A_333 = arith.constant 128 : i32
        %dma_wait3A_334 = tpu.memref_slice %arg5[%add3A_320, %dma_wait3A_333] : memref<64x208xi32, #tpu.memory_space<vmem>> -> memref<1x72xi32, #tpu.memory_space<vmem>>
        %dma_wait3A_335 = tpu.memref_squeeze %dma_wait3A_334 : memref<1x72xi32, #tpu.memory_space<vmem>> -> memref<72xi32, #tpu.memory_space<vmem>>
        %dma_wait3A_336 = arith.constant 0 : i32
        %dma_wait3A_337 = arith.constant 0 : i32
        %dma_wait3A_338 = tpu.memref_slice %arg3[%dma_wait3A_336, %dma_wait3A_337] : memref<1000001x64xf32, #tpu.memory_space<hbm>> -> memref<1000001x64xf32, #tpu.memory_space<hbm>>
        tpu.wait_indirect_dma semaphore(%arg18 : memref<!tpu.dma_semaphore, #tpu.memory_space<semaphore_mem>>) src(%dma_wait3A_338 : memref<1000001x64xf32, #tpu.memory_space<hbm>>) dst(%dma_wait3A_332 : memref<72x64xf32, #tpu.memory_space<vmem>>)
        %lt3A_339 = arith.constant 15 : i32
        %lt3A_340 = arith.cmpi slt, %scan3A_108, %lt3A_339 : i32
        %convert_element_type3A_341 = arith.extui %lt3A_340 : i1 to i32
        %cond3A_342 = arith.constant 0 : i32
        %cond3A_343 = arith.cmpi ne, %convert_element_type3A_341, %cond3A_342 : i32
        scf.if %cond3A_343 {
          %add3A_389 = arith.constant 4 : i32
          %add3A_390 = arith.addi %add3A_320, %add3A_389 : i32
          %dma_start3A_391 = arith.constant 0 : i32
          %dma_start3A_392 = arith.constant 0 : i32
          %dma_start3A_393 = tpu.memref_slice %arg10[%dma_start3A_391, %dma_start3A_392] : memref<200x64xf32, #tpu.memory_space<vmem>> -> memref<128x64xf32, #tpu.memory_space<vmem>>
          %dma_start3A_394 = arith.constant 0 : i32
          %dma_start3A_395 = tpu.memref_slice %arg5[%add3A_390, %dma_start3A_394] : memref<64x208xi32, #tpu.memory_space<vmem>> -> memref<1x128xi32, #tpu.memory_space<vmem>>
          %dma_start3A_396 = tpu.memref_squeeze %dma_start3A_395 : memref<1x128xi32, #tpu.memory_space<vmem>> -> memref<128xi32, #tpu.memory_space<vmem>>
          %dma_start3A_397 = arith.constant 0 : i32
          %dma_start3A_398 = arith.constant 0 : i32
          %dma_start3A_399 = tpu.memref_slice %arg3[%dma_start3A_397, %dma_start3A_398] : memref<1000001x64xf32, #tpu.memory_space<hbm>> -> memref<1000001x64xf32, #tpu.memory_space<hbm>>
          tpu.enqueue_indirect_dma source(%dma_start3A_399 : memref<1000001x64xf32, #tpu.memory_space<hbm>>) target(%dma_start3A_393 : memref<128x64xf32, #tpu.memory_space<vmem>>) offsets(%dma_start3A_396 : memref<128xi32, #tpu.memory_space<vmem>>) semaphore(%arg17 : memref<!tpu.dma_semaphore, #tpu.memory_space<semaphore_mem>>)
          %dma_start3A_400 = arith.constant 128 : i32
          %dma_start3A_401 = arith.constant 0 : i32
          %dma_start3A_402 = tpu.memref_slice %arg10[%dma_start3A_400, %dma_start3A_401] : memref<200x64xf32, #tpu.memory_space<vmem>> -> memref<72x64xf32, #tpu.memory_space<vmem>>
          %dma_start3A_403 = arith.constant 128 : i32
          %dma_start3A_404 = tpu.memref_slice %arg5[%add3A_390, %dma_start3A_403] : memref<64x208xi32, #tpu.memory_space<vmem>> -> memref<1x72xi32, #tpu.memory_space<vmem>>
          %dma_start3A_405 = tpu.memref_squeeze %dma_start3A_404 : memref<1x72xi32, #tpu.memory_space<vmem>> -> memref<72xi32, #tpu.memory_space<vmem>>
          %dma_start3A_406 = arith.constant 0 : i32
          %dma_start3A_407 = arith.constant 0 : i32
          %dma_start3A_408 = tpu.memref_slice %arg3[%dma_start3A_406, %dma_start3A_407] : memref<1000001x64xf32, #tpu.memory_space<hbm>> -> memref<1000001x64xf32, #tpu.memory_space<hbm>>
          tpu.enqueue_indirect_dma source(%dma_start3A_408 : memref<1000001x64xf32, #tpu.memory_space<hbm>>) target(%dma_start3A_402 : memref<72x64xf32, #tpu.memory_space<vmem>>) offsets(%dma_start3A_405 : memref<72xi32, #tpu.memory_space<vmem>>) semaphore(%arg18 : memref<!tpu.dma_semaphore, #tpu.memory_space<semaphore_mem>>)
        } else {
        }
        %broadcast_in_dim3A_344 = arith.constant 0.000000e+00 : f32
        %broadcast_in_dim3A_345 = vector.broadcast %broadcast_in_dim3A_344 : f32 to vector<16xf32>
        %scan3A_346 = arith.constant 0 : i32
        %scan3A_347 = arith.constant 100 : i32
        %scan3A_348 = arith.addi %scan3A_346, %scan3A_347 : i32
        %scan3A_349 = arith.constant 4 : i32
        %scan3A_350:8 = scf.for %scan3A_389 = %scan3A_346 to %scan3A_348 step %scan3A_349 iter_args(%scan3A_390 = %broadcast_in_dim3A_345, %scan3A_391 = %broadcast_in_dim3A_345, %scan3A_392 = %broadcast_in_dim3A_345, %scan3A_393 = %broadcast_in_dim3A_345, %scan3A_394 = %broadcast_in_dim3A_345, %scan3A_395 = %broadcast_in_dim3A_345, %scan3A_396 = %broadcast_in_dim3A_345, %scan3A_397 = %broadcast_in_dim3A_345) -> (vector<16xf32>, vector<16xf32>, vector<16xf32>, vector<16xf32>, vector<16xf32>, vector<16xf32>, vector<16xf32>, vector<16xf32>)  : i32 {
          %mul3A_398 = arith.constant 2 : i32
          %mul3A_399 = arith.muli %mul3A_398, %scan3A_389 : i32
          %get3A = arith.index_cast %mul3A_399 : i32 to index
          %get3A_400 = arith.constant 0 : index
          %get3A_401 = tpu.vector_load %arg10[%get3A, %get3A_400] {strides = array<i32>} : memref<200x64xf32, #tpu.memory_space<vmem>>, vector<1x16xf32>,
          %get3A_402 = vector.shape_cast %get3A_401 : vector<1x16xf32> to vector<16xf32>
          %add3A_403 = arith.addf %scan3A_390, %get3A_402 : vector<16xf32>
          %mul3A_404 = arith.constant 2 : i32
          %mul3A_405 = arith.muli %mul3A_404, %scan3A_389 : i32
          %get3A_406 = arith.index_cast %mul3A_405 : i32 to index
          %get3A_407 = arith.constant 16 : index
          %get3A_408 = tpu.vector_load %arg10[%get3A_406, %get3A_407] {strides = array<i32>} : memref<200x64xf32, #tpu.memory_space<vmem>>, vector<1x16xf32>,
          %get3A_409 = vector.shape_cast %get3A_408 : vector<1x16xf32> to vector<16xf32>
          %add3A_410 = arith.addf %scan3A_391, %get3A_409 : vector<16xf32>
          %mul3A_411 = arith.constant 2 : i32
          %mul3A_412 = arith.muli %mul3A_411, %scan3A_389 : i32
          %get3A_413 = arith.index_cast %mul3A_412 : i32 to index
          %get3A_414 = arith.constant 32 : index
          %get3A_415 = tpu.vector_load %arg10[%get3A_413, %get3A_414] {strides = array<i32>} : memref<200x64xf32, #tpu.memory_space<vmem>>, vector<1x16xf32>,
          %get3A_416 = vector.shape_cast %get3A_415 : vector<1x16xf32> to vector<16xf32>
          %add3A_417 = arith.addf %scan3A_392, %get3A_416 : vector<16xf32>
          %mul3A_418 = arith.constant 2 : i32
          %mul3A_419 = arith.muli %mul3A_418, %scan3A_389 : i32
          %get3A_420 = arith.index_cast %mul3A_419 : i32 to index
          %get3A_421 = arith.constant 48 : index
          %get3A_422 = tpu.vector_load %arg10[%get3A_420, %get3A_421] {strides = array<i32>} : memref<200x64xf32, #tpu.memory_space<vmem>>, vector<1x16xf32>,
          %get3A_423 = vector.shape_cast %get3A_422 : vector<1x16xf32> to vector<16xf32>
          %add3A_424 = arith.addf %scan3A_393, %get3A_423 : vector<16xf32>
          %mul3A_425 = arith.constant 2 : i32
          %mul3A_426 = arith.muli %mul3A_425, %scan3A_389 : i32
          %add3A_427 = arith.constant 1 : i32
          %add3A_428 = arith.addi %mul3A_426, %add3A_427 : i32
          %get3A_429 = arith.index_cast %add3A_428 : i32 to index
          %get3A_430 = arith.constant 0 : index
          %get3A_431 = tpu.vector_load %arg10[%get3A_429, %get3A_430] {strides = array<i32>} : memref<200x64xf32, #tpu.memory_space<vmem>>, vector<1x16xf32>,
          %get3A_432 = vector.shape_cast %get3A_431 : vector<1x16xf32> to vector<16xf32>
          %add3A_433 = arith.addf %scan3A_394, %get3A_432 : vector<16xf32>
          %mul3A_434 = arith.constant 2 : i32
          %mul3A_435 = arith.muli %mul3A_434, %scan3A_389 : i32
          %add3A_436 = arith.constant 1 : i32
          %add3A_437 = arith.addi %mul3A_435, %add3A_436 : i32
          %get3A_438 = arith.index_cast %add3A_437 : i32 to index
          %get3A_439 = arith.constant 16 : index
          %get3A_440 = tpu.vector_load %arg10[%get3A_438, %get3A_439] {strides = array<i32>} : memref<200x64xf32, #tpu.memory_space<vmem>>, vector<1x16xf32>,
          %get3A_441 = vector.shape_cast %get3A_440 : vector<1x16xf32> to vector<16xf32>
          %add3A_442 = arith.addf %scan3A_395, %get3A_441 : vector<16xf32>
          %mul3A_443 = arith.constant 2 : i32
          %mul3A_444 = arith.muli %mul3A_443, %scan3A_389 : i32
          %add3A_445 = arith.constant 1 : i32
          %add3A_446 = arith.addi %mul3A_444, %add3A_445 : i32
          %get3A_447 = arith.index_cast %add3A_446 : i32 to index
          %get3A_448 = arith.constant 32 : index
          %get3A_449 = tpu.vector_load %arg10[%get3A_447, %get3A_448] {strides = array<i32>} : memref<200x64xf32, #tpu.memory_space<vmem>>, vector<1x16xf32>,
          %get3A_450 = vector.shape_cast %get3A_449 : vector<1x16xf32> to vector<16xf32>
          %add3A_451 = arith.addf %scan3A_396, %get3A_450 : vector<16xf32>
          %mul3A_452 = arith.constant 2 : i32
          %mul3A_453 = arith.muli %mul3A_452, %scan3A_389 : i32
          %add3A_454 = arith.constant 1 : i32
          %add3A_455 = arith.addi %mul3A_453, %add3A_454 : i32
          %get3A_456 = arith.index_cast %add3A_455 : i32 to index
          %get3A_457 = arith.constant 48 : index
          %get3A_458 = tpu.vector_load %arg10[%get3A_456, %get3A_457] {strides = array<i32>} : memref<200x64xf32, #tpu.memory_space<vmem>>, vector<1x16xf32>,
          %get3A_459 = vector.shape_cast %get3A_458 : vector<1x16xf32> to vector<16xf32>
          %add3A_460 = arith.addf %scan3A_397, %get3A_459 : vector<16xf32>
          %scan3A_461 = arith.constant 1 : i32
          %scan3A_462 = arith.addi %scan3A_389, %scan3A_461 : i32
          %mul3A_463 = arith.constant 2 : i32
          %mul3A_464 = arith.muli %mul3A_463, %scan3A_462 : i32
          %get3A_465 = arith.index_cast %mul3A_464 : i32 to index
          %get3A_466 = arith.constant 0 : index
          %get3A_467 = tpu.vector_load %arg10[%get3A_465, %get3A_466] {strides = array<i32>} : memref<200x64xf32, #tpu.memory_space<vmem>>, vector<1x16xf32>,
          %get3A_468 = vector.shape_cast %get3A_467 : vector<1x16xf32> to vector<16xf32>
          %add3A_469 = arith.addf %add3A_403, %get3A_468 : vector<16xf32>
          %mul3A_470 = arith.constant 2 : i32
          %mul3A_471 = arith.muli %mul3A_470, %scan3A_462 : i32
          %get3A_472 = arith.index_cast %mul3A_471 : i32 to index
          %get3A_473 = arith.constant 16 : index
          %get3A_474 = tpu.vector_load %arg10[%get3A_472, %get3A_473] {strides = array<i32>} : memref<200x64xf32, #tpu.memory_space<vmem>>, vector<1x16xf32>,
          %get3A_475 = vector.shape_cast %get3A_474 : vector<1x16xf32> to vector<16xf32>
          %add3A_476 = arith.addf %add3A_410, %get3A_475 : vector<16xf32>
          %mul3A_477 = arith.constant 2 : i32
          %mul3A_478 = arith.muli %mul3A_477, %scan3A_462 : i32
          %get3A_479 = arith.index_cast %mul3A_478 : i32 to index
          %get3A_480 = arith.constant 32 : index
          %get3A_481 = tpu.vector_load %arg10[%get3A_479, %get3A_480] {strides = array<i32>} : memref<200x64xf32, #tpu.memory_space<vmem>>, vector<1x16xf32>,
          %get3A_482 = vector.shape_cast %get3A_481 : vector<1x16xf32> to vector<16xf32>
          %add3A_483 = arith.addf %add3A_417, %get3A_482 : vector<16xf32>
          %mul3A_484 = arith.constant 2 : i32
          %mul3A_485 = arith.muli %mul3A_484, %scan3A_462 : i32
          %get3A_486 = arith.index_cast %mul3A_485 : i32 to index
          %get3A_487 = arith.constant 48 : index
          %get3A_488 = tpu.vector_load %arg10[%get3A_486, %get3A_487] {strides = array<i32>} : memref<200x64xf32, #tpu.memory_space<vmem>>, vector<1x16xf32>,
          %get3A_489 = vector.shape_cast %get3A_488 : vector<1x16xf32> to vector<16xf32>
          %add3A_490 = arith.addf %add3A_424, %get3A_489 : vector<16xf32>
          %mul3A_491 = arith.constant 2 : i32
          %mul3A_492 = arith.muli %mul3A_491, %scan3A_462 : i32
          %add3A_493 = arith.constant 1 : i32
          %add3A_494 = arith.addi %mul3A_492, %add3A_493 : i32
          %get3A_495 = arith.index_cast %add3A_494 : i32 to index
          %get3A_496 = arith.constant 0 : index
          %get3A_497 = tpu.vector_load %arg10[%get3A_495, %get3A_496] {strides = array<i32>} : memref<200x64xf32, #tpu.memory_space<vmem>>, vector<1x16xf32>,
          %get3A_498 = vector.shape_cast %get3A_497 : vector<1x16xf32> to vector<16xf32>
          %add3A_499 = arith.addf %add3A_433, %get3A_498 : vector<16xf32>
          %mul3A_500 = arith.constant 2 : i32
          %mul3A_501 = arith.muli %mul3A_500, %scan3A_462 : i32
          %add3A_502 = arith.constant 1 : i32
          %add3A_503 = arith.addi %mul3A_501, %add3A_502 : i32
          %get3A_504 = arith.index_cast %add3A_503 : i32 to index
          %get3A_505 = arith.constant 16 : index
          %get3A_506 = tpu.vector_load %arg10[%get3A_504, %get3A_505] {strides = array<i32>} : memref<200x64xf32, #tpu.memory_space<vmem>>, vector<1x16xf32>,
          %get3A_507 = vector.shape_cast %get3A_506 : vector<1x16xf32> to vector<16xf32>
          %add3A_508 = arith.addf %add3A_442, %get3A_507 : vector<16xf32>
          %mul3A_509 = arith.constant 2 : i32
          %mul3A_510 = arith.muli %mul3A_509, %scan3A_462 : i32
          %add3A_511 = arith.constant 1 : i32
          %add3A_512 = arith.addi %mul3A_510, %add3A_511 : i32
          %get3A_513 = arith.index_cast %add3A_512 : i32 to index
          %get3A_514 = arith.constant 32 : index
          %get3A_515 = tpu.vector_load %arg10[%get3A_513, %get3A_514] {strides = array<i32>} : memref<200x64xf32, #tpu.memory_space<vmem>>, vector<1x16xf32>,
          %get3A_516 = vector.shape_cast %get3A_515 : vector<1x16xf32> to vector<16xf32>
          %add3A_517 = arith.addf %add3A_451, %get3A_516 : vector<16xf32>
          %mul3A_518 = arith.constant 2 : i32
          %mul3A_519 = arith.muli %mul3A_518, %scan3A_462 : i32
          %add3A_520 = arith.constant 1 : i32
          %add3A_521 = arith.addi %mul3A_519, %add3A_520 : i32
          %get3A_522 = arith.index_cast %add3A_521 : i32 to index
          %get3A_523 = arith.constant 48 : index
          %get3A_524 = tpu.vector_load %arg10[%get3A_522, %get3A_523] {strides = array<i32>} : memref<200x64xf32, #tpu.memory_space<vmem>>, vector<1x16xf32>,
          %get3A_525 = vector.shape_cast %get3A_524 : vector<1x16xf32> to vector<16xf32>
          %add3A_526 = arith.addf %add3A_460, %get3A_525 : vector<16xf32>
          %scan3A_527 = arith.constant 2 : i32
          %scan3A_528 = arith.addi %scan3A_389, %scan3A_527 : i32
          %mul3A_529 = arith.constant 2 : i32
          %mul3A_530 = arith.muli %mul3A_529, %scan3A_528 : i32
          %get3A_531 = arith.index_cast %mul3A_530 : i32 to index
          %get3A_532 = arith.constant 0 : index
          %get3A_533 = tpu.vector_load %arg10[%get3A_531, %get3A_532] {strides = array<i32>} : memref<200x64xf32, #tpu.memory_space<vmem>>, vector<1x16xf32>,
          %get3A_534 = vector.shape_cast %get3A_533 : vector<1x16xf32> to vector<16xf32>
          %add3A_535 = arith.addf %add3A_469, %get3A_534 : vector<16xf32>
          %mul3A_536 = arith.constant 2 : i32
          %mul3A_537 = arith.muli %mul3A_536, %scan3A_528 : i32
          %get3A_538 = arith.index_cast %mul3A_537 : i32 to index
          %get3A_539 = arith.constant 16 : index
          %get3A_540 = tpu.vector_load %arg10[%get3A_538, %get3A_539] {strides = array<i32>} : memref<200x64xf32, #tpu.memory_space<vmem>>, vector<1x16xf32>,
          %get3A_541 = vector.shape_cast %get3A_540 : vector<1x16xf32> to vector<16xf32>
          %add3A_542 = arith.addf %add3A_476, %get3A_541 : vector<16xf32>
          %mul3A_543 = arith.constant 2 : i32
          %mul3A_544 = arith.muli %mul3A_543, %scan3A_528 : i32
          %get3A_545 = arith.index_cast %mul3A_544 : i32 to index
          %get3A_546 = arith.constant 32 : index
          %get3A_547 = tpu.vector_load %arg10[%get3A_545, %get3A_546] {strides = array<i32>} : memref<200x64xf32, #tpu.memory_space<vmem>>, vector<1x16xf32>,
          %get3A_548 = vector.shape_cast %get3A_547 : vector<1x16xf32> to vector<16xf32>
          %add3A_549 = arith.addf %add3A_483, %get3A_548 : vector<16xf32>
          %mul3A_550 = arith.constant 2 : i32
          %mul3A_551 = arith.muli %mul3A_550, %scan3A_528 : i32
          %get3A_552 = arith.index_cast %mul3A_551 : i32 to index
          %get3A_553 = arith.constant 48 : index
          %get3A_554 = tpu.vector_load %arg10[%get3A_552, %get3A_553] {strides = array<i32>} : memref<200x64xf32, #tpu.memory_space<vmem>>, vector<1x16xf32>,
          %get3A_555 = vector.shape_cast %get3A_554 : vector<1x16xf32> to vector<16xf32>
          %add3A_556 = arith.addf %add3A_490, %get3A_555 : vector<16xf32>
          %mul3A_557 = arith.constant 2 : i32
          %mul3A_558 = arith.muli %mul3A_557, %scan3A_528 : i32
          %add3A_559 = arith.constant 1 : i32
          %add3A_560 = arith.addi %mul3A_558, %add3A_559 : i32
          %get3A_561 = arith.index_cast %add3A_560 : i32 to index
          %get3A_562 = arith.constant 0 : index
          %get3A_563 = tpu.vector_load %arg10[%get3A_561, %get3A_562] {strides = array<i32>} : memref<200x64xf32, #tpu.memory_space<vmem>>, vector<1x16xf32>,
          %get3A_564 = vector.shape_cast %get3A_563 : vector<1x16xf32> to vector<16xf32>
          %add3A_565 = arith.addf %add3A_499, %get3A_564 : vector<16xf32>
          %mul3A_566 = arith.constant 2 : i32
          %mul3A_567 = arith.muli %mul3A_566, %scan3A_528 : i32
          %add3A_568 = arith.constant 1 : i32
          %add3A_569 = arith.addi %mul3A_567, %add3A_568 : i32
          %get3A_570 = arith.index_cast %add3A_569 : i32 to index
          %get3A_571 = arith.constant 16 : index
          %get3A_572 = tpu.vector_load %arg10[%get3A_570, %get3A_571] {strides = array<i32>} : memref<200x64xf32, #tpu.memory_space<vmem>>, vector<1x16xf32>,
          %get3A_573 = vector.shape_cast %get3A_572 : vector<1x16xf32> to vector<16xf32>
          %add3A_574 = arith.addf %add3A_508, %get3A_573 : vector<16xf32>
          %mul3A_575 = arith.constant 2 : i32
          %mul3A_576 = arith.muli %mul3A_575, %scan3A_528 : i32
          %add3A_577 = arith.constant 1 : i32
          %add3A_578 = arith.addi %mul3A_576, %add3A_577 : i32
          %get3A_579 = arith.index_cast %add3A_578 : i32 to index
          %get3A_580 = arith.constant 32 : index
          %get3A_581 = tpu.vector_load %arg10[%get3A_579, %get3A_580] {strides = array<i32>} : memref<200x64xf32, #tpu.memory_space<vmem>>, vector<1x16xf32>,
          %get3A_582 = vector.shape_cast %get3A_581 : vector<1x16xf32> to vector<16xf32>
          %add3A_583 = arith.addf %add3A_517, %get3A_582 : vector<16xf32>
          %mul3A_584 = arith.constant 2 : i32
          %mul3A_585 = arith.muli %mul3A_584, %scan3A_528 : i32
          %add3A_586 = arith.constant 1 : i32
          %add3A_587 = arith.addi %mul3A_585, %add3A_586 : i32
          %get3A_588 = arith.index_cast %add3A_587 : i32 to index
          %get3A_589 = arith.constant 48 : index
          %get3A_590 = tpu.vector_load %arg10[%get3A_588, %get3A_589] {strides = array<i32>} : memref<200x64xf32, #tpu.memory_space<vmem>>, vector<1x16xf32>,
          %get3A_591 = vector.shape_cast %get3A_590 : vector<1x16xf32> to vector<16xf32>
          %add3A_592 = arith.addf %add3A_526, %get3A_591 : vector<16xf32>
          %scan3A_593 = arith.constant 3 : i32
          %scan3A_594 = arith.addi %scan3A_389, %scan3A_593 : i32
          %mul3A_595 = arith.constant 2 : i32
          %mul3A_596 = arith.muli %mul3A_595, %scan3A_594 : i32
          %get3A_597 = arith.index_cast %mul3A_596 : i32 to index
          %get3A_598 = arith.constant 0 : index
          %get3A_599 = tpu.vector_load %arg10[%get3A_597, %get3A_598] {strides = array<i32>} : memref<200x64xf32, #tpu.memory_space<vmem>>, vector<1x16xf32>,
          %get3A_600 = vector.shape_cast %get3A_599 : vector<1x16xf32> to vector<16xf32>
          %add3A_601 = arith.addf %add3A_535, %get3A_600 : vector<16xf32>
          %mul3A_602 = arith.constant 2 : i32
          %mul3A_603 = arith.muli %mul3A_602, %scan3A_594 : i32
          %get3A_604 = arith.index_cast %mul3A_603 : i32 to index
          %get3A_605 = arith.constant 16 : index
          %get3A_606 = tpu.vector_load %arg10[%get3A_604, %get3A_605] {strides = array<i32>} : memref<200x64xf32, #tpu.memory_space<vmem>>, vector<1x16xf32>,
          %get3A_607 = vector.shape_cast %get3A_606 : vector<1x16xf32> to vector<16xf32>
          %add3A_608 = arith.addf %add3A_542, %get3A_607 : vector<16xf32>
          %mul3A_609 = arith.constant 2 : i32
          %mul3A_610 = arith.muli %mul3A_609, %scan3A_594 : i32
          %get3A_611 = arith.index_cast %mul3A_610 : i32 to index
          %get3A_612 = arith.constant 32 : index
          %get3A_613 = tpu.vector_load %arg10[%get3A_611, %get3A_612] {strides = array<i32>} : memref<200x64xf32, #tpu.memory_space<vmem>>, vector<1x16xf32>,
          %get3A_614 = vector.shape_cast %get3A_613 : vector<1x16xf32> to vector<16xf32>
          %add3A_615 = arith.addf %add3A_549, %get3A_614 : vector<16xf32>
          %mul3A_616 = arith.constant 2 : i32
          %mul3A_617 = arith.muli %mul3A_616, %scan3A_594 : i32
          %get3A_618 = arith.index_cast %mul3A_617 : i32 to index
          %get3A_619 = arith.constant 48 : index
          %get3A_620 = tpu.vector_load %arg10[%get3A_618, %get3A_619] {strides = array<i32>} : memref<200x64xf32, #tpu.memory_space<vmem>>, vector<1x16xf32>,
          %get3A_621 = vector.shape_cast %get3A_620 : vector<1x16xf32> to vector<16xf32>
          %add3A_622 = arith.addf %add3A_556, %get3A_621 : vector<16xf32>
          %mul3A_623 = arith.constant 2 : i32
          %mul3A_624 = arith.muli %mul3A_623, %scan3A_594 : i32
          %add3A_625 = arith.constant 1 : i32
          %add3A_626 = arith.addi %mul3A_624, %add3A_625 : i32
          %get3A_627 = arith.index_cast %add3A_626 : i32 to index
          %get3A_628 = arith.constant 0 : index
          %get3A_629 = tpu.vector_load %arg10[%get3A_627, %get3A_628] {strides = array<i32>} : memref<200x64xf32, #tpu.memory_space<vmem>>, vector<1x16xf32>,
          %get3A_630 = vector.shape_cast %get3A_629 : vector<1x16xf32> to vector<16xf32>
          %add3A_631 = arith.addf %add3A_565, %get3A_630 : vector<16xf32>
          %mul3A_632 = arith.constant 2 : i32
          %mul3A_633 = arith.muli %mul3A_632, %scan3A_594 : i32
          %add3A_634 = arith.constant 1 : i32
          %add3A_635 = arith.addi %mul3A_633, %add3A_634 : i32
          %get3A_636 = arith.index_cast %add3A_635 : i32 to index
          %get3A_637 = arith.constant 16 : index
          %get3A_638 = tpu.vector_load %arg10[%get3A_636, %get3A_637] {strides = array<i32>} : memref<200x64xf32, #tpu.memory_space<vmem>>, vector<1x16xf32>,
          %get3A_639 = vector.shape_cast %get3A_638 : vector<1x16xf32> to vector<16xf32>
          %add3A_640 = arith.addf %add3A_574, %get3A_639 : vector<16xf32>
          %mul3A_641 = arith.constant 2 : i32
          %mul3A_642 = arith.muli %mul3A_641, %scan3A_594 : i32
          %add3A_643 = arith.constant 1 : i32
          %add3A_644 = arith.addi %mul3A_642, %add3A_643 : i32
          %get3A_645 = arith.index_cast %add3A_644 : i32 to index
          %get3A_646 = arith.constant 32 : index
          %get3A_647 = tpu.vector_load %arg10[%get3A_645, %get3A_646] {strides = array<i32>} : memref<200x64xf32, #tpu.memory_space<vmem>>, vector<1x16xf32>,
          %get3A_648 = vector.shape_cast %get3A_647 : vector<1x16xf32> to vector<16xf32>
          %add3A_649 = arith.addf %add3A_583, %get3A_648 : vector<16xf32>
          %mul3A_650 = arith.constant 2 : i32
          %mul3A_651 = arith.muli %mul3A_650, %scan3A_594 : i32
          %add3A_652 = arith.constant 1 : i32
          %add3A_653 = arith.addi %mul3A_651, %add3A_652 : i32
          %get3A_654 = arith.index_cast %add3A_653 : i32 to index
          %get3A_655 = arith.constant 48 : index
          %get3A_656 = tpu.vector_load %arg10[%get3A_654, %get3A_655] {strides = array<i32>} : memref<200x64xf32, #tpu.memory_space<vmem>>, vector<1x16xf32>,
          %get3A_657 = vector.shape_cast %get3A_656 : vector<1x16xf32> to vector<16xf32>
          %add3A_658 = arith.addf %add3A_592, %get3A_657 : vector<16xf32>
          scf.yield %add3A_601, %add3A_608, %add3A_615, %add3A_622, %add3A_631, %add3A_640, %add3A_649, %add3A_658 : vector<16xf32>, vector<16xf32>, vector<16xf32>, vector<16xf32>, vector<16xf32>, vector<16xf32>, vector<16xf32>, vector<16xf32>
        }
        %scan3A_351 = arith.constant 100 : i32
        %add3A_352 = arith.addf %scan3A_350#0, %scan3A_350#4 : vector<16xf32>
        %mul3A_353 = arith.constant 5.000000e-03 : f32
        %mul3A_354 = vector.broadcast %mul3A_353 : f32 to vector<16xf32>
        %mul3A_355 = arith.mulf %add3A_352, %mul3A_354 : vector<16xf32>
        %swap3A_356 = arith.index_cast %add3A_320 : i32 to index
        %swap3A_357 = arith.constant 0 : index
        %swap3A_358 = tpu.vector_load %arg6[%swap3A_356, %swap3A_357] {strides = array<i32>} : memref<64x64xf32, #tpu.memory_space<vmem>>, vector<1x16xf32>,
        %swap3A_359 = vector.shape_cast %swap3A_358 : vector<1x16xf32> to vector<16xf32>
        %swap3A_360 = vector.shape_cast %mul3A_355 : vector<16xf32> to vector<1x16xf32>
        tpu.vector_store %arg6[%swap3A_356, %swap3A_357], %swap3A_360 {strides = array<i32>} : memref<64x64xf32, #tpu.memory_space<vmem>>, vector<1x16xf32>,
        %add3A_361 = arith.addf %scan3A_350#1, %scan3A_350#5 : vector<16xf32>
        %mul3A_362 = arith.constant 5.000000e-03 : f32
        %mul3A_363 = vector.broadcast %mul3A_362 : f32 to vector<16xf32>
        %mul3A_364 = arith.mulf %add3A_361, %mul3A_363 : vector<16xf32>
        %swap3A_365 = arith.index_cast %add3A_320 : i32 to index
        %swap3A_366 = arith.constant 16 : index
        %swap3A_367 = tpu.vector_load %arg6[%swap3A_365, %swap3A_366] {strides = array<i32>} : memref<64x64xf32, #tpu.memory_space<vmem>>, vector<1x16xf32>,
        %swap3A_368 = vector.shape_cast %swap3A_367 : vector<1x16xf32> to vector<16xf32>
        %swap3A_369 = vector.shape_cast %mul3A_364 : vector<16xf32> to vector<1x16xf32>
        tpu.vector_store %arg6[%swap3A_365, %swap3A_366], %swap3A_369 {strides = array<i32>} : memref<64x64xf32, #tpu.memory_space<vmem>>, vector<1x16xf32>,
        %add3A_370 = arith.addf %scan3A_350#2, %scan3A_350#6 : vector<16xf32>
        %mul3A_371 = arith.constant 5.000000e-03 : f32
        %mul3A_372 = vector.broadcast %mul3A_371 : f32 to vector<16xf32>
        %mul3A_373 = arith.mulf %add3A_370, %mul3A_372 : vector<16xf32>
        %swap3A_374 = arith.index_cast %add3A_320 : i32 to index
        %swap3A_375 = arith.constant 32 : index
        %swap3A_376 = tpu.vector_load %arg6[%swap3A_374, %swap3A_375] {strides = array<i32>} : memref<64x64xf32, #tpu.memory_space<vmem>>, vector<1x16xf32>,
        %swap3A_377 = vector.shape_cast %swap3A_376 : vector<1x16xf32> to vector<16xf32>
        %swap3A_378 = vector.shape_cast %mul3A_373 : vector<16xf32> to vector<1x16xf32>
        tpu.vector_store %arg6[%swap3A_374, %swap3A_375], %swap3A_378 {strides = array<i32>} : memref<64x64xf32, #tpu.memory_space<vmem>>, vector<1x16xf32>,
        %add3A_379 = arith.addf %scan3A_350#3, %scan3A_350#7 : vector<16xf32>
        %mul3A_380 = arith.constant 5.000000e-03 : f32
        %mul3A_381 = vector.broadcast %mul3A_380 : f32 to vector<16xf32>
        %mul3A_382 = arith.mulf %add3A_379, %mul3A_381 : vector<16xf32>
        %swap3A_383 = arith.index_cast %add3A_320 : i32 to index
        %swap3A_384 = arith.constant 48 : index
        %swap3A_385 = tpu.vector_load %arg6[%swap3A_383, %swap3A_384] {strides = array<i32>} : memref<64x64xf32, #tpu.memory_space<vmem>>, vector<1x16xf32>,
        %swap3A_386 = vector.shape_cast %swap3A_385 : vector<1x16xf32> to vector<16xf32>
        %swap3A_387 = vector.shape_cast %mul3A_382 : vector<16xf32> to vector<1x16xf32>
        tpu.vector_store %arg6[%swap3A_383, %swap3A_384], %swap3A_387 {strides = array<i32>} : memref<64x64xf32, #tpu.memory_space<vmem>>, vector<1x16xf32>,
        %scan3A_388 = arith.constant 0 : i32
        scf.yield %scan3A_388 : i32
      }
      %scan3A_106 = arith.constant 16 : i32
      "tpu.region"() ({
        %run_scoped3A = tpu.sem_alloc : memref<!tpu.dma_semaphore, #tpu.memory_space<semaphore_mem>>
        %dma_start3A_108 = arith.constant 0 : i32
        %dma_start3A_109 = tpu.memref_slice %arg4[%add3A_13, %dma_start3A_108] : memref<16384x64xf32, #tpu.memory_space<hbm>> -> memref<64x64xf32, #tpu.memory_space<hbm>>
        %dma_start3A_110 = arith.constant 0 : i32
        %dma_start3A_111 = tpu.memref_slice %arg4[%add3A_13, %dma_start3A_110] : memref<16384x64xf32, #tpu.memory_space<hbm>> -> memref<64x64xf32, #tpu.memory_space<hbm>>
        tpu.enqueue_dma source(%arg6 : memref<64x64xf32, #tpu.memory_space<vmem>>) target(%dma_start3A_111 : memref<64x64xf32, #tpu.memory_space<hbm>>) target_semaphore(%run_scoped3A : memref<!tpu.dma_semaphore, #tpu.memory_space<semaphore_mem>>)
        %dma_wait3A = arith.constant 0 : i32
        %dma_wait3A_112 = tpu.memref_slice %arg4[%add3A_13, %dma_wait3A] : memref<16384x64xf32, #tpu.memory_space<hbm>> -> memref<64x64xf32, #tpu.memory_space<hbm>>
        %dma_wait3A_113 = arith.constant 0 : i32
        %dma_wait3A_114 = tpu.memref_slice %arg4[%add3A_13, %dma_wait3A_113] : memref<16384x64xf32, #tpu.memory_space<hbm>> -> memref<64x64xf32, #tpu.memory_space<hbm>>
        tpu.wait_dma2 semaphore(%run_scoped3A : memref<!tpu.dma_semaphore, #tpu.memory_space<semaphore_mem>>) src(%arg6 : memref<64x64xf32, #tpu.memory_space<vmem>>) dst(%dma_wait3A_114 : memref<64x64xf32, #tpu.memory_space<hbm>>)
        tpu.yield
      }) : () -> ()
      %scan3A_107 = arith.constant 0 : i32
      scf.yield %scan3A_107 : i32
    }
    %scan3A_8 = arith.constant 8 : i32
    return
  }
}

</mosaic_0001>

<sc_bundles>
// kernel: kernel.3.cloned.1.call-start
scs
__scs_entry_jumppad:
0x0: {  	(pc) =	sbr.rel $0x88, $3  }
0x1: {  	(tag) =	ssettag $0x0;
	lr =	simm.s32 $0x1  }
0x2: {  	[smem:$0x3F9F] =	sst lr;
	_ =	strace $0xD0000000  }
0x3: {  	_ = 	snop  }
0x4: {  	_ = 	snop  }
0x5: {  	_ = 	snop  }
0x6: {  	_ = 	snop  }
0x7: {  	_ = 	snop  }
__scs_overlays_trampoline_lowered:
0x8: {  	[smem:$0x3FAE] =	sst s0  }
0x9: {  	[smem:$0x3FAF] =	sst s1  }
0xa: {  	[smem:$0x3FB0] =	sst s2  }
0xb: {  	[smem:$0x3FB1] =	sst s3  }
0xc: {  	[smem:$0x3FB2] =	sst s4  }
0xd: {  	[smem:$0x3FB3] =	sst s5  }
0xe: {  	[smem:$0x3FB4] =	sst s6  }
0xf: {  	[smem:$0x3FB5] =	sst s7  }
0x10: {  	[smem:$0x3FB6] =	sst s8  }
0x11: {  	[smem:$0x3FB7] =	sst s9;
	s0 =	simm.s32 @!p0 $0x0  }
0x12: {  	s1 =	sld [smem:$0x3F9D];
	s0 =	simm.s32 @p0 $0x1  }
0x13: {  	[smem:$0x3FB8] =	sst s0;
	s0 =	simm.s32 @!p1 $0x0  }
0x14: {  	s2 =	sld [smem:$0x3F9C];
	s0 =	simm.s32 @p1 $0x1  }
0x15: {  	[smem:$0x3FB9] =	sst s0;
	s0 =	simm.s32 @!p2 $0x0  }
0x16: {  	s3 =	sld [smem:$0x3FDB];
	s0 =	simm.s32 @p2 $0x1  }
0x17: {  	s4 =	simm.s32 $0x1BF5;
	[smem:$0x3FBB] =	sst s0  }
0x18: {  	s0 =	sld [smem:$0x3F9E];
	_ =	swait.ge [sflag:s4], $0x0  }
0x19: {  	s7 =	sld [smem:$0x3F9F]  }
0x1a: {  	s8 =	sadd.s32 $0xFFFFE003, lr  }
0x1b: {  	s9 =	sadd.s32 $0xFFFFFEF7, lr;
	s5 =	simm.s32 $0xFFFFFFFF;
	p2 =	slt.u32 s8, $0xFFFFF086  }
0x1c: {  	p1 =	slt.u32 s9, $0xF7A;
	s5 =	simm.s32 @!p2 $0x0  }
0x1d: {  	s5 =	simm.s32 @p1 $0x1;
	p0 =	seq.s32 s7, s2  }
0x1e: {  	s7 =	smul.u32 @!p0 $0xF7A, s2;
	p2 =	seq.s32 @!p0 s5, $0x0  }
0x1f: {  	s9 =	smul.u32 $0xF7A, s1;
	s8 =	simm.s32 @!p0 $0x1BF5;
	p2 =	por !p2, p0  }
0x20: {  	[sflag:s8] =	ssyncset.s32 @!p0 $0xFFFFF086;
	s6 =	sadd.s32 @!p0 s3, s7;
	s7 =	simm.s32 @!p0 $0x108  }
0x21: {  	s3 =	sadd.s32 s3, s9;
	s6 =	sadd.s32 @!p0 $0x88, s6;
	s7 =	simm.s32 @p2 $0x1082  }
0x22: {  	[simem:s7], [sflag:s8] =	dma.local @!p0 [hbm:s6], $0xF7A  }
0x23: {  	s9 =	sor.u32 $0xD0000000, s2;
	s6 =	simm.s32 $0x108;
	_ =	swait.ge @!p0 [sflag:s8], $0x0  }
0x24: {  	s3 =	sadd.s32 $0x88, s3;
	s6 =	simm.s32 @!p1 $0x1082;
	[sflag:s4] =	ssyncset.s32 $0xFFFFF086  }
0x25: {  	[simem:s6], [sflag:s4] =	dma.local [hbm:s3], $0xF7A  }
0x26: {  	[smem:$0x3F9F] =	sst s1;
	(tag) =	ssettag s2;
	_ =	strace s9  }
0x27: {  	s1 =	sld [smem:$0x3FAF]  }
0x28: {  	s2 =	sld [smem:$0x3FB0]  }
0x29: {  	s4 =	sld [smem:$0x3FB2]  }
0x2a: {  	p0 =	seq.s32 s5, $0x0;
	s5 =	sld [smem:$0x3FB3]  }
0x2b: {  	s6 =	sld [smem:$0x3FB4]  }
0x2c: {  	s7 =	sld [smem:$0x3FB5]  }
0x2d: {  	s3 =	simm.s32 $0x108;
	s8 =	sld [smem:$0x3FB6]  }
0x2e: {  	s3 =	simm.s32 @!p0 $0x1082;
	s9 =	sld [smem:$0x3FB7]  }
0x2f: {  	lr =	sadd.s32 s0, s3;
	s0 =	sld [smem:$0x3FAE]  }
0x30: {  	s3 =	sld [smem:$0x3FB1]  }
0x31: {  	[smem:$0x3FBA] =	sst s10  }
0x32: {  	s10 =	sld [smem:$0x3FB8];
	_ =	sdelay $0x3  }
0x33: {  	p0 =	seq.s32 s10, $0x1;
	s10 =	sld [smem:$0x3FBA];
	_ =	sdelay $0x3  }
0x34: {  	[smem:$0x3FBA] =	sst s10  }
0x35: {  	s10 =	sld [smem:$0x3FB9];
	_ =	sdelay $0x3  }
0x36: {  	p1 =	seq.s32 s10, $0x1;
	s10 =	sld [smem:$0x3FBA];
	_ =	sdelay $0x3  }
0x37: {  	[smem:$0x3FBA] =	sst s10  }
0x38: {  	s10 =	sld [smem:$0x3FBB]  }
0x39: {  	_ = 	snop;
	(pc) =	sbr.ind lr, $3  }
0x3a: {  	_ = 	snop  }
0x3b: {  	_ = 	snop  }
0x3c: {  	p2 =	seq.s32 s10, $0x1;
	s10 =	sld [smem:$0x3FBA]  }
0x3d: {  	_ =	shalt  }
0x3e: {  	_ =	shalt  }
0x3f: {  	_ =	shalt  }
0x40: {  	_ =	shalt  }
0x41: {  	_ =	shalt  }
0x42: {  	_ =	shalt  }
0x43: {  	_ =	shalt  }
0x44: {  	_ =	shalt  }
0x45: {  	_ =	shalt  }
0x46: {  	_ =	shalt  }
0x47: {  	_ =	shalt  }
0x48: {  	_ =	shalt  }
0x49: {  	_ =	shalt  }
0x4a: {  	_ =	shalt  }
0x4b: {  	_ =	shalt  }
0x4c: {  	_ =	shalt  }
0x4d: {  	_ =	shalt  }
0x4e: {  	_ =	shalt  }
0x4f: {  	_ =	shalt  }
0x50: {  	_ =	shalt  }
0x51: {  	_ =	shalt  }
0x52: {  	_ =	shalt  }
0x53: {  	_ =	shalt  }
0x54: {  	_ =	shalt  }
0x55: {  	_ =	shalt  }
0x56: {  	_ =	shalt  }
0x57: {  	_ =	shalt  }
0x58: {  	_ =	shalt  }
0x59: {  	_ =	shalt  }
0x5a: {  	_ =	shalt  }
0x5b: {  	_ =	shalt  }
0x5c: {  	_ =	shalt  }
0x5d: {  	_ =	shalt  }
0x5e: {  	_ =	shalt  }
0x5f: {  	_ =	shalt  }
0x60: {  	_ =	shalt  }
0x61: {  	_ =	shalt  }
0x62: {  	_ =	shalt  }
0x63: {  	_ =	shalt  }
0x64: {  	_ =	shalt  }
0x65: {  	_ =	shalt  }
0x66: {  	_ =	shalt  }
0x67: {  	_ =	shalt  }
0x68: {  	_ =	shalt  }
0x69: {  	_ =	shalt  }
0x6a: {  	_ =	shalt  }
0x6b: {  	_ =	shalt  }
0x6c: {  	_ =	shalt  }
0x6d: {  	_ =	shalt  }
0x6e: {  	_ =	shalt  }
0x6f: {  	_ =	shalt  }
0x70: {  	_ =	shalt  }
0x71: {  	_ =	shalt  }
0x72: {  	_ =	shalt  }
0x73: {  	_ =	shalt  }
0x74: {  	_ =	shalt  }
0x75: {  	_ =	shalt  }
0x76: {  	_ =	shalt  }
0x77: {  	_ =	shalt  }
0x78: {  	_ =	shalt  }
0x79: {  	_ =	shalt  }
0x7a: {  	_ =	shalt  }
0x7b: {  	_ =	shalt  }
0x7c: {  	_ =	shalt  }
0x7d: {  	_ =	shalt  }
0x7e: {  	_ =	shalt  }
0x7f: {  	_ =	shalt  }
0x80: {  	_ =	shalt  }
0x81: {  	_ =	shalt  }
0x82: {  	_ =	shalt  }
0x83: {  	_ =	shalt  }
0x84: {  	_ =	shalt  }
0x85: {  	_ =	shalt  }
0x86: {  	_ =	shalt  }
0x87: {  	_ =	shalt  }
.Lfunc_end0:
.L_simem_size_0:
called_computation_lowered:
.L_overlay_start_0:
0x88: {  	s2 =	sld [smem:$0x3FD9]  }
0x89: {  	s3 =	sld [smem:$0x3FFE];
	_ =	sdelay $0x1  }
0x8a: {  	s1 =	srdreg.scid  }
0x8b: {  	s0 =	sand.u32 $0x1, s1  }
0x8c: {  	s17 =	sshll.u32 s0, $0xA;
	s2 =	sadd.s32 s3, s2  }
0x8d: {  	s2 =	sadd.s32 s2, s17  }
0x8e: {  	[smem:$0x3FC6] =	sst s2  }
0x8f: {  	_ = 	snop  }
0x90: {  	s2 =	sld [smem:$0x3FD0];
	(tm) =	ssettm $0x1  }
0x91: {  	s18 =	sld [smem:$0x3FFB];
	_ =	sdelay $0x3  }
0x92: {  	_ =	strace s18  }
0x93: {  	s3 =	sld [smem:$0x3FFC];
	_ =	sdelay $0x3  }
0x94: {  	_ =	strace s3  }
0x95: {  	s3 =	sld [smem:$0x3FFD];
	_ =	sdelay $0x3  }
0x96: {  	_ =	strace s3  }
0x97: {  	_ =	strace $0x8FFFFFFF  }
0x98: {  	s19 =	sld [smem:$0x3FDB];
	_ =	sdelay $0x1  }
0x99: {  	s4 =	simm.s32 $_scs_section_size  }
0x9a: {  	s5 =	simm.s32 $_size__tile_overlayer_lowered;
	s6 =	simm.s32 $_tile_overlayer_lowered  }
0x9b: {  	s22 =	simm.s32 $0x1BFF;
	s21 =	sshll.u32 s6, $0x1;
	s3 =	sadd.s32 s4, s19  }
0x9c: {  	s7 =	simm.s32 $0x0;
	s20 =	sshll.u32 s5, $0x1;
	s5 =	sadd.s32 s21, s3  }
0x9d: {  	[timem:s7], [sflag:s22] =	dma.local [hbm:s5], s20  }
0x9e: {  	_ =	swait.ge [sflag:s22], s20  }
0x9f: {  	s4 =	ssub.s32 $0x0, s20;
	[sflag:s22] =	ssyncset.done $0x0  }
0xa0: {  	[sflag:s22] =	ssyncadd.s32 s4;
	_ =	sdelay $0x1  }
0xa1: {  	s23 =	simm.s32 $0x1B8B  }
0xa2: {  	_ =	swait.ge [sflag:s23], $0x1  }
0xa3: {  	[sflag:s23] =	ssyncset.done $0x0  }
0xa4: {  	s25 =	simm.s32 $0x1B8E;
	s24 =	sld [smem:$0x3FFE];
	[sflag:s23] =	ssyncadd.s32 $0xFFFFFFFF  }
0xa5: {  	s26 =	simm.s32 $execute0_lowered;
	[smem:$0x3FD2] =	sst s25  }
0xa6: {  	s5 =	sshll.u32 s26, $0x1;
	_ =	strace $0x80000046;
	[dreg:$0x1] =	wrdreg $0xFFFFFFFF  }
0xa7: {  	s28 =	simm.s32 $_size_execute0_lowered;
	s3 =	sadd.s32 s3, s5;
	[dreg:$0x0] =	wrdreg $0x0  }
0xa8: {  	s5 =	sshll.u32 s28, $0x1;
	[dreg:$0x2] =	wrdreg s3  }
0xa9: {  	[dreg:$0x3] =	wrdreg s5  }
0xaa: {  	[dreg:$0x4] =	wrdreg $0xC0  }
0xab: {  	_ =	task [dreg:s7], $0x5FFFF  }
0xac: {  	[dreg:$0x1] =	wrdreg $0xFFFFFFFF  }
0xad: {  	[dreg:$0x0] =	wrdreg $0x60  }
0xae: {  	[dreg:$0x2] =	wrdreg s24  }
0xaf: {  	[dreg:$0x3] =	wrdreg s2  }
0xb0: {  	[dreg:$0x4] =	wrdreg $0x9  }
0xb1: {  	_ =	task.clear_ibuf [dreg:s7], $0x5FFFF;
	_ =	strace $0x90000046  }
0xb2: {  	s29 =	simm.s32 $0x9;
	_ =	strace $0x80000048  }
0xb3: {  	_ =	swait.ge [sflag:s29], $0x1  }
0xb4: {  	[sflag:s29] =	ssyncadd.s32 $0xFFFFFFFF  }
0xb5: {  	_ =	strace $0x90000048  }
0xb6: {  	_ =	sfence  }
0xb7: {  	s30 =	sld [smem:$0x0];
	_ =	sdelay $0x2  }
0xb8: {  	s31 =	sshll.u32 s1, $0xD;
	s1 =	sshrl.u32 s1, $0x2  }
0xb9: {  	s3 =	sand.u32 $0x4000, s31;
	s1 =	sadd.s32 s1, s30  }
0xba: {  	s0 =	sor.u32 s3, s0;
	s1 =	sshll.u32 s1, $0x11  }
0xbb: {  	s0 =	sor.u32 s1, s0  }
0xbc: {  	s0 =	sadd.s32 $0x8F2B, s0  }
0xbd: {  	[sflag:s0] =	ssyncadd.remote.s32 $0x1  }
0xbe: {  	_ =	sfence.sel $0xFFFF  }
0xbf: {  	[dreg:$0x0] =	wrdreg $0xFFFFFFFF;
	(pc) =	sbr.abs _section_cstart, $3  }
0xc0: {  	[dreg:$0x1] =	wrdreg $0xFFFFFFFF  }
0xc1: {  	_ =	task.clear_ibuf [dreg:s7], $0x2FFFF;
	_ =	strace $0x9FFFFFFF  }
0xc2: {  	(tm) =	ssettm $0x7FFFFFFF  }
0xc3: {  	_ =	shalt  }
tec
execute0_lowered:
.L_overlay_start_1:
0x0: {  	(tag) =	ssettag $0x1  }
0x1: {  	s0 =	rddreg [dreg:$0x0]  }
0x2: {  	s2 =	simm.s32 $0x0;
	s1 =	srdreg.scid;
	s6 =	stileid.u32  }
0x3: {  	s8 =	simm.s32 $0x9;
	s9 =	simm.s32 $0x80;
	s11 =	simm.s32 $0x48  }
0x4: {  	s18 =	simm.s32 $0xA800;
	s19 =	simm.s32 $0x220;
	s20 =	simm.s32 $0xC800  }
0x5: {  	s21 =	simm.s32 $0x270;
	s22 =	simm.s32 $0xDA00;
	s23 =	simm.s32 $0x2F0  }
0x6: {  	s24 =	simm.s32 $0xFA00;
	s25 =	simm.s32 $0x1;
	s28 =	simm.s32 $0x3  }
0x7: {  	s29 =	simm.s32 $0x4;
	s30 =	simm.s32 $0x5;
	s31 =	simm.s32 $0x6  }
0x8: {  	s7 =	simm.s32 $0x3400;
	s10 =	simm.s32 $0x0;
	s1 =	sand.u32 $0x1, s1  }
0x9: {  	[smem:$0x7FF] =	sst s2;
	s4 =	sadd.s32 $0x100600, s0;
	s3 =	ssub.s32 $0x2, s1  }
0xa: {  	s6 =	sshll.u32 s6, $0xA;
	s1 =	sshll.u32 s1, $0x9;
	s5 =	sshrl.u32 s3, $0x1  }
0xb: {  	_ =	strace $0x80000047;
	s6 =	sor.u32 s1, s6;
	s3 =	ssub.s32 s3, s5  }
0xc: {  	s5 =	sadd.s32 $0xF42C00, s0;
	s0 =	simm.s32 $0x7;
	s26 =	smax.u32 s3, $0x1  }
0xd: {  	s3 =	simm.s32 $0x8;
	[dreg:$0x3] =	wrdreg s26;
	s26 =	simm.s32 $0x2  }
.LBB2_1:
0xe: {  	[dreg:$0x4] =	wrdreg s10;
	s1 =	simm.s32 $0x0  }
.LBB2_2:
0xf: {  	s10 =	sshll.u32 s1, $0x6  }
0x10: {  	s10 =	sadd.s32 s6, s10  }
0x11: {  	s12 =	smul.u32 $0x32, s10;
	_ =	sdelay $0x1  }
0x12: {  	s13 =	simm.s32 $0x0;
	s12 =	sadd.s32 s4, s12  }
0x13: {  	s14 =	simm.s32 $0x32;
	s15 =	simm.s32 $0xD0;
	s16 =	sadd.s32 $0x0, s12  }
.LBB2_3:
0x14: {  	[tilespmem:s13], [sflag:$0x9] =	stream.linear.gather [hbm4b:s16+s2], $0xC8, $0x38;
	[tilespmem:$0x10C00] =	vst v63  }
0x15: {  	s16 =	smov.u32 s14;
	s13 =	smov.u32 s15;
	p0 =	sne.s32 s14, $0xC4E  }
.Ltmp0:
0x16: {  	s14 =	sadd.s32 $0x32, s14;
	(pc) =	sbr.rel @p0 .LBB2_3-.Ltmp0, $2  }
0x17: {  	_ =	sdelay $0x2  }
0x18: {  	s15 =	sadd.s32 $0xD0, s15;
	s16 =	sadd.s32 s16, s12  }
0x19: {  	[tilespmem:s13], [sflag:$0x9] =	stream.linear.gather [hbm4b:s16+s2], $0xC8, $0x38;
	[tilespmem:$0x10C00] =	vst v63  }
0x1a: {  	_ =	swait.ge [sflag:s8], $0x3200  }
0x1b: {  	[sflag:s8] =	ssyncset.done $0x0  }
0x1c: {  	s12 =	simm.s32 $0x0;
	[sflag:s8] =	ssyncadd.s32 $0xFFFFCE00  }
0x1d: {  	v0 =	vld [tilespmem:s12+$0x0]  }
0x1e: {  	v1 =	vld [tilespmem:s12+$0x10]  }
0x1f: {  	v2 =	vld [tilespmem:s12+$0x20]  }
0x20: {  	v3 =	vld [tilespmem:s12+$0x30]  }
0x21: {  	v4 =	vld [tilespmem:s12+$0x40]  }
0x22: {  	v5 =	vld [tilespmem:s12+$0x50];
	v0 =	vadd.s32 $0x1, v0  }
0x23: {  	v6 =	vld [tilespmem:s12+$0x60];
	[tilespmem:s12+$0x0] =	vst v0;
	v0 =	vadd.s32 $0x1, v1  }
0x24: {  	v1 =	vld [tilespmem:s12+$0x70];
	[tilespmem:s12+$0x10] =	vst v0;
	v0 =	vadd.s32 $0x1, v2  }
0x25: {  	v2 =	vadd.s32 $0x1, v3;
	[tilespmem:s12+$0x20] =	vst v0;
	v0 =	vld [tilespmem:s12+$0x80]  }
0x26: {  	v3 =	vadd.s32 $0x1, v4;
	[tilespmem:s12+$0x30] =	vst v2;
	v2 =	vld [tilespmem:s12+$0x90]  }
0x27: {  	v4 =	vadd.s32 $0x1, v5;
	[tilespmem:s12+$0x40] =	vst v3;
	v3 =	vld [tilespmem:s12+$0xA0]  }
0x28: {  	s13 =	simm.s32 $0x340;
	v5 =	vadd.s32 $0x1, v6;
	[tilespmem:s12+$0x50] =	vst v4;
	v4 =	vld [tilespmem:s12+$0xB0]  }
.LBB2_5:
0x29: {  	s14 =	sshra.s32 s13, $0x2;
	p0 =	sne.s32 s13, $0xCCC0;
	[tilespmem:s12+$0x60] =	vst v5;
	v1 =	vadd.s32 $0x1, v1;
	v5 =	vld [tilespmem:s12+$0xC0]  }
0x2a: {  	v6 =	vld [tilespmem:s14+$0x0];
	[tilespmem:s12+$0x70] =	vst v1;
	v0 =	vadd.s32 $0x1, v0  }
0x2b: {  	v1 =	vld [tilespmem:s14+$0x10];
	[tilespmem:s12+$0x80] =	vst v0;
	v0 =	vadd.s32 $0x1, v2  }
0x2c: {  	v2 =	vld [tilespmem:s14+$0x20];
	[tilespmem:s12+$0x90] =	vst v0;
	v0 =	vadd.s32 $0x1, v3  }
0x2d: {  	v3 =	vld [tilespmem:s14+$0x30];
	[tilespmem:s12+$0xA0] =	vst v0;
	v0 =	vadd.s32 $0x1, v4  }
0x2e: {  	v4 =	vld [tilespmem:s14+$0x40];
	[tilespmem:s12+$0xB0] =	vst v0;
	v0 =	vadd.s32 $0x1, v5  }
0x2f: {  	v5 =	vadd.s32 $0x1, v6;
	v6 =	vld [tilespmem:s14+$0x50];
	[tilespmem:s12+$0xC0] =	vst v0;
	s12 =	smov.u32 s14  }
0x30: {  	[tilespmem:s12+$0x0] =	vst v5;
	v0 =	vadd.s32 $0x1, v1;
	v5 =	vld [tilespmem:s12+$0x60]  }
.Ltmp1:
0x31: {  	[tilespmem:s12+$0x10] =	vst v0;
	v0 =	vadd.s32 $0x1, v2;
	v1 =	vld [tilespmem:s12+$0x70];
	(pc) =	sbr.rel @p0 .LBB2_5-.Ltmp1, $4  }
0x32: {  	[tilespmem:s12+$0x20] =	vst v0;
	v2 =	vadd.s32 $0x1, v3;
	v0 =	vld [tilespmem:s12+$0x80]  }
0x33: {  	[tilespmem:s12+$0x30] =	vst v2;
	v3 =	vadd.s32 $0x1, v4;
	v2 =	vld [tilespmem:s12+$0x90]  }
0x34: {  	[tilespmem:s12+$0x40] =	vst v3;
	v4 =	vadd.s32 $0x1, v6;
	v3 =	vld [tilespmem:s12+$0xA0]  }
0x35: {  	s13 =	sadd.s32 $0x340, s13;
	[tilespmem:s12+$0x50] =	vst v4;
	v5 =	vadd.s32 $0x1, v5;
	v4 =	vld [tilespmem:s12+$0xB0]  }
0x36: {  	[tilespmem:s12+$0x60] =	vst v5;
	v1 =	vadd.s32 $0x1, v1;
	v59 =	vld [tilespmem:s12+$0xC0]  }
0x37: {  	[tilespmem:s12+$0x70] =	vst v1;
	v0 =	vadd.s32 $0x1, v0  }
0x38: {  	[tilespmem:s12+$0x80] =	vst v0;
	v60 =	vadd.s32 $0x1, v2  }
0x39: {  	[tilespmem:s12+$0x90] =	vst v60;
	v61 =	vadd.s32 $0x1, v3  }
0x3a: {  	[tilespmem:s12+$0xA0] =	vst v61;
	v62 =	vadd.s32 $0x1, v4  }
0x3b: {  	[tilespmem:s12+$0xB0] =	vst v62;
	v63 =	vadd.s32 $0x1, v59  }
0x3c: {  	s13 =	simm.s32 $0x4400;
	[tilespmem:s12+$0xC0] =	vst v63;
	s12 =	simm.s32 $0x0  }
0x3d: {  	[tilespmem:s13], [sflag:$0x1] =	stream.indirect.gather [hbm4b:s5+s9], $0x40, s12, s9, $0xb8;
	[tilespmem:$0x10C00] =	vst v63  }
0x3e: {  	s16 =	simm.s32 $0x6400  }
0x3f: {  	[tilespmem:s16], [sflag:$0x2] =	stream.indirect.gather [hbm4b:s5+s11], $0x40, s9, s11, $0xb8;
	[tilespmem:$0x10C00] =	vst v63  }
0x40: {  	s17 =	simm.s32 $0xD0;
	s14 =	simm.s32 $0x7600  }
0x41: {  	[tilespmem:s14], [sflag:$0x3] =	stream.indirect.gather [hbm4b:s5+s9], $0x40, s17, s9, $0xb8;
	[tilespmem:$0x10C00] =	vst v63  }
0x42: {  	s15 =	simm.s32 $0x150;
	s16 =	simm.s32 $0x9600  }
0x43: {  	[tilespmem:s16], [sflag:$0x4] =	stream.indirect.gather [hbm4b:s5+s11], $0x40, s15, s11, $0xb8;
	[tilespmem:$0x10C00] =	vst v63  }
0x44: {  	s17 =	simm.s32 $0x1A0  }
0x45: {  	[tilespmem:s18], [sflag:$0x5] =	stream.indirect.gather [hbm4b:s5+s9], $0x40, s17, s9, $0xb8;
	[tilespmem:$0x10C00] =	vst v63  }
0x46: {  	_ = 	snop  }
0x47: {  	[tilespmem:s20], [sflag:$0x6] =	stream.indirect.gather [hbm4b:s5+s11], $0x40, s19, s11, $0xb8;
	[tilespmem:$0x10C00] =	vst v63  }
0x48: {  	_ = 	snop  }
0x49: {  	[tilespmem:s22], [sflag:$0x7] =	stream.indirect.gather [hbm4b:s5+s9], $0x40, s21, s9, $0xb8;
	[tilespmem:$0x10C00] =	vst v63  }
0x4a: {  	_ = 	snop  }
0x4b: {  	[tilespmem:s24], [sflag:$0x8] =	stream.indirect.gather [hbm4b:s5+s11], $0x40, s23, s11, $0xb8;
	[tilespmem:$0x10C00] =	vst v63  }
.LBB2_7:
0x4c: {  	_ =	swait.ge [sflag:s25], $0x2000  }
0x4d: {  	p0 =	seq.s32 s12, $0xF;
	[sflag:s25] =	ssyncset.done $0x0  }
0x4e: {  	s13 =	smul.u32 @!p0 $0xD00, s12;
	[sflag:s25] =	ssyncadd.s32 $0xFFFFE000  }
0x4f: {  	s17 =	simm.s32 $0x4500;
	_ =	swait.ge [sflag:s26], $0x1200  }
0x50: {  	s15 =	simm.s32 @!p0 $0x80;
	s14 =	sshra.s32 @!p0 s13, $0x2;
	[sflag:s26] =	ssyncset.done $0x0  }
0x51: {  	s16 =	simm.s32 @!p0 $0x4400;
	s13 =	sadd.s32 @!p0 $0x340, s14;
	[sflag:s26] =	ssyncadd.s32 $0xFFFFEE00  }
0x52: {  	[tilespmem:s16], [sflag:$0x1] =	stream.indirect.gather @!p0 [hbm4b:s5+s15], $0x40, s13, s15, $0xb8;
	[tilespmem:$0x10C00] =	vst v63  }
0x53: {  	s13 =	sadd.s32 @!p0 $0x3C0, s14;
	s15 =	simm.s32 @!p0 $0x48;
	s16 =	simm.s32 @!p0 $0x6400  }
0x54: {  	[tilespmem:s16], [sflag:$0x2] =	stream.indirect.gather @!p0 [hbm4b:s5+s15], $0x40, s13, s15, $0xb8;
	[tilespmem:$0x10C00] =	vst v63  }
0x55: {  	v4 =	vld [tilespmem:s17+$0x80]  }
0x56: {  	v5 =	vld [tilespmem:s17+$0x90]  }
0x57: {  	v11 =	vld [tilespmem:s17+$0xA0]  }
0x58: {  	v12 =	vld [tilespmem:s17+$0xB0]  }
0x59: {  	v0 =	vld [tilespmem:s17+$0xC0]  }
0x5a: {  	v1 =	vld [tilespmem:s17+$0xD0]  }
0x5b: {  	v6 =	vld [tilespmem:s17+$0x0]  }
0x5c: {  	v7 =	vld [tilespmem:s17+$0x10]  }
0x5d: {  	v9 =	vld [tilespmem:s17+$0x20]  }
0x5e: {  	v10 =	vld [tilespmem:s17+$0x30]  }
0x5f: {  	v2 =	vld [tilespmem:s17+$0x40]  }
0x60: {  	v3 =	vld [tilespmem:s17+$0x50]  }
0x61: {  	v8 =	vld [tilespmem:s17+$0xFFFFFF80]  }
0x62: {  	v13 =	vld [tilespmem:s17+$0xFFFFFF90]  }
0x63: {  	v14 =	vld [tilespmem:s17+$0xFFFFFF00]  }
0x64: {  	v15 =	vld [tilespmem:s17+$0xFFFFFF10]  }
0x65: {  	v16 =	vld [tilespmem:s17+$0xFFFFFF20]  }
0x66: {  	v17 =	vld [tilespmem:s17+$0xFFFFFF30]  }
0x67: {  	v18 =	vld [tilespmem:s17+$0xFFFFFFA0]  }
0x68: {  	v19 =	vld [tilespmem:s17+$0xFFFFFFB0]  }
0x69: {  	v20 =	vimm.f32 $0.0e+00;
	v21 =	vld [tilespmem:s17+$0xFFFFFFC0]  }
0x6a: {  	v22 =	vld [tilespmem:s17+$0xFFFFFFD0];
	v14 =	vadd.f32 v14, v20;
	v15 =	vadd.f32 v15, v20  }
0x6b: {  	v23 =	vld [tilespmem:s17+$0xFFFFFF40];
	v16 =	vadd.f32 v16, v20;
	v17 =	vadd.f32 v17, v20  }
0x6c: {  	v24 =	vld [tilespmem:s17+$0xFFFFFF50];
	v8 =	vadd.f32 v8, v14;
	v13 =	vadd.f32 v13, v15  }
0x6d: {  	v14 =	vld [tilespmem:s17+$0xFFFFFF60];
	v15 =	vadd.f32 v18, v16;
	v16 =	vadd.f32 v19, v17  }
0x6e: {  	v17 =	vld [tilespmem:s17+$0xFFFFFF70];
	v6 =	vadd.f32 v6, v8;
	v13 =	vadd.f32 v7, v13  }
0x6f: {  	v8 =	vld [tilespmem:s17+$0xFFFFFFE0];
	v15 =	vadd.f32 v9, v15;
	v16 =	vadd.f32 v10, v16  }
0x70: {  	v10 =	vld [tilespmem:s17+$0xFFFFFFF0];
	v7 =	vadd.f32 v4, v6;
	v6 =	vadd.f32 v5, v13  }
0x71: {  	v9 =	vld [tilespmem:s17+$0x60];
	v5 =	vadd.f32 v11, v15;
	v4 =	vadd.f32 v12, v16  }
0x72: {  	v13 =	vadd.f32 v23, v20;
	v16 =	vadd.f32 v24, v20;
	v12 =	vld [tilespmem:s17+$0x70]  }
0x73: {  	v11 =	vld [tilespmem:s17+$0xE0];
	v15 =	vadd.f32 v14, v20;
	v14 =	vadd.f32 v17, v20  }
0x74: {  	s13 =	simm.s32 $0x0;
	s15 =	simm.s32 $0x4700;
	v17 =	vadd.f32 v21, v13;
	v16 =	vadd.f32 v22, v16;
	v13 =	vld [tilespmem:s17+$0xF0]  }
.LBB2_8:
0x75: {  	v18 =	vld [tilespmem:s15+$0x80];
	v8 =	vadd.f32 v8, v15;
	v10 =	vadd.f32 v10, v14  }
0x76: {  	v14 =	vld [tilespmem:s15+$0x90];
	v2 =	vadd.f32 v2, v17;
	v3 =	vadd.f32 v3, v16  }
0x77: {  	v15 =	vld [tilespmem:s15+$0xA0];
	v8 =	vadd.f32 v9, v8;
	v9 =	vadd.f32 v12, v10  }
0x78: {  	v12 =	vld [tilespmem:s15+$0xB0];
	v16 =	vadd.f32 v0, v2;
	v17 =	vadd.f32 v1, v3  }
0x79: {  	v0 =	vld [tilespmem:s15+$0xC0];
	v11 =	vadd.f32 v11, v8;
	v13 =	vadd.f32 v13, v9  }
0x7a: {  	v1 =	vld [tilespmem:s15+$0xD0]  }
0x7b: {  	v8 =	vld [tilespmem:s15+$0x0]  }
0x7c: {  	v9 =	vld [tilespmem:s15+$0x10]  }
0x7d: {  	v10 =	vld [tilespmem:s15+$0x20]  }
0x7e: {  	v19 =	vld [tilespmem:s15+$0x30]  }
0x7f: {  	v2 =	vld [tilespmem:s15+$0x40]  }
0x80: {  	v3 =	vld [tilespmem:s15+$0x50]  }
0x81: {  	v20 =	vld [tilespmem:s15+$0xFFFFFF80]  }
0x82: {  	v21 =	vld [tilespmem:s15+$0xFFFFFF90]  }
0x83: {  	v22 =	vld [tilespmem:s15+$0xFFFFFF00]  }
0x84: {  	v23 =	vld [tilespmem:s15+$0xFFFFFF10]  }
0x85: {  	v24 =	vld [tilespmem:s15+$0xFFFFFF20]  }
0x86: {  	v25 =	vld [tilespmem:s15+$0xFFFFFF30]  }
0x87: {  	v26 =	vld [tilespmem:s15+$0xFFFFFFA0]  }
0x88: {  	v27 =	vld [tilespmem:s15+$0xFFFFFFB0]  }
0x89: {  	v28 =	vld [tilespmem:s15+$0xFFFFFFC0]  }
0x8a: {  	v7 =	vadd.f32 v22, v7;
	v6 =	vadd.f32 v23, v6;
	v22 =	vld [tilespmem:s15+$0xFFFFFFD0]  }
0x8b: {  	v5 =	vadd.f32 v24, v5;
	v4 =	vadd.f32 v25, v4;
	v23 =	vld [tilespmem:s15+$0xFFFFFF40]  }
0x8c: {  	v7 =	vadd.f32 v20, v7;
	v6 =	vadd.f32 v21, v6;
	v24 =	vld [tilespmem:s15+$0xFFFFFF50]  }
0x8d: {  	v5 =	vadd.f32 v26, v5;
	v20 =	vld [tilespmem:s15+$0xFFFFFF60];
	v4 =	vadd.f32 v27, v4  }
0x8e: {  	s13 =	sadd.s32 $0x4, s13;
	v7 =	vadd.f32 v8, v7;
	v6 =	vadd.f32 v9, v6;
	v21 =	vld [tilespmem:s15+$0xFFFFFF70]  }
0x8f: {  	p1 =	slt.u32 s13, $0x60;
	v5 =	vadd.f32 v10, v5;
	v8 =	vld [tilespmem:s15+$0xFFFFFFE0];
	v4 =	vadd.f32 v19, v4  }
.Ltmp2:
0x90: {  	v7 =	vadd.f32 v18, v7;
	v6 =	vadd.f32 v14, v6;
	v10 =	vld [tilespmem:s15+$0xFFFFFFF0];
	(pc) =	sbr.rel @p1 .LBB2_8-.Ltmp2, $4  }
0x91: {  	v5 =	vadd.f32 v15, v5;
	v9 =	vld [tilespmem:s15+$0x60];
	v4 =	vadd.f32 v12, v4  }
0x92: {  	v16 =	vadd.f32 v23, v16;
	v18 =	vadd.f32 v24, v17;
	v12 =	vld [tilespmem:s15+$0x70]  }
0x93: {  	v15 =	vadd.f32 v20, v11;
	v14 =	vadd.f32 v21, v13;
	v11 =	vld [tilespmem:s15+$0xE0]  }
0x94: {  	v17 =	vadd.f32 v28, v16;
	v16 =	vadd.f32 v22, v18;
	v13 =	vld [tilespmem:s15+$0xF0];
	s15 =	sadd.s32 $0x200, s15  }
0x95: {  	_ = 	snop  }
0x96: {  	v8 =	vadd.f32 v8, v15;
	v2 =	vadd.f32 v2, v17  }
0x97: {  	v10 =	vadd.f32 v10, v14;
	v3 =	vadd.f32 v3, v16  }
0x98: {  	v8 =	vadd.f32 v9, v8;
	v0 =	vadd.f32 v0, v2  }
0x99: {  	v2 =	vadd.f32 v12, v10;
	v1 =	vadd.f32 v1, v3  }
0x9a: {  	v3 =	vadd.f32 v11, v8;
	v0 =	vadd.f32 v0, v7  }
0x9b: {  	v2 =	vadd.f32 v13, v2;
	v1 =	vadd.f32 v1, v6  }
0x9c: {  	s13 =	sshll.u32 s12, $0x8;
	v3 =	vadd.f32 v3, v5;
	v0 =	vmul.f32 $4.999999890e-03, v0  }
0x9d: {  	s13 =	sand.u32 $0x3FFFFF00, s13;
	v1 =	vmul.f32 $4.999999890e-03, v1;
	v2 =	vadd.f32 v2, v4  }
0x9e: {  	[tilespmem:s13+$0x3400] =	vst v0;
	v0 =	vmul.f32 $4.999999890e-03, v3  }
0x9f: {  	[tilespmem:s13+$0x3410] =	vst v1;
	v1 =	vmul.f32 $4.999999890e-03, v2  }
0xa0: {  	[tilespmem:s13+$0x3420] =	vst v0  }
0xa1: {  	[tilespmem:s13+$0x3430] =	vst v1  }
0xa2: {  	_ =	swait.ge [sflag:s28], $0x2000  }
0xa3: {  	[sflag:s28] =	ssyncset.done $0x0  }
0xa4: {  	[sflag:s28] =	ssyncadd.s32 $0xFFFFE000  }
0xa5: {  	_ =	swait.ge [sflag:s29], $0x1200  }
0xa6: {  	s15 =	sadd.s32 @!p0 $0x410, s14;
	[sflag:s29] =	ssyncset.done $0x0  }
0xa7: {  	s16 =	simm.s32 @!p0 $0x80;
	s17 =	simm.s32 @!p0 $0x7600;
	[sflag:s29] =	ssyncadd.s32 $0xFFFFEE00  }
0xa8: {  	[tilespmem:s17], [sflag:$0x3] =	stream.indirect.gather @!p0 [hbm4b:s5+s16], $0x40, s15, s16, $0xb8;
	[tilespmem:$0x10C00] =	vst v63  }
0xa9: {  	s15 =	sadd.s32 @!p0 $0x490, s14;
	s16 =	simm.s32 @!p0 $0x48;
	s17 =	simm.s32 @!p0 $0x9600  }
0xaa: {  	[tilespmem:s17], [sflag:$0x4] =	stream.indirect.gather @!p0 [hbm4b:s5+s16], $0x40, s15, s16, $0xb8;
	[tilespmem:$0x10C00] =	vst v63  }
0xab: {  	s17 =	simm.s32 $0x7700  }
0xac: {  	v4 =	vld [tilespmem:s17+$0x80]  }
0xad: {  	v5 =	vld [tilespmem:s17+$0x90]  }
0xae: {  	v6 =	vld [tilespmem:s17+$0xA0]  }
0xaf: {  	v11 =	vld [tilespmem:s17+$0xB0]  }
0xb0: {  	v0 =	vld [tilespmem:s17+$0xC0]  }
0xb1: {  	v1 =	vld [tilespmem:s17+$0xD0]  }
0xb2: {  	v7 =	vld [tilespmem:s17+$0x0]  }
0xb3: {  	v8 =	vld [tilespmem:s17+$0x10]  }
0xb4: {  	v9 =	vld [tilespmem:s17+$0x20]  }
0xb5: {  	v10 =	vld [tilespmem:s17+$0x30]  }
0xb6: {  	v2 =	vld [tilespmem:s17+$0x40]  }
0xb7: {  	v3 =	vld [tilespmem:s17+$0x50]  }
0xb8: {  	v12 =	vld [tilespmem:s17+$0xFFFFFF80]  }
0xb9: {  	v13 =	vld [tilespmem:s17+$0xFFFFFF90]  }
0xba: {  	v14 =	vld [tilespmem:s17+$0xFFFFFF00]  }
0xbb: {  	v15 =	vld [tilespmem:s17+$0xFFFFFF10]  }
0xbc: {  	v16 =	vld [tilespmem:s17+$0xFFFFFF20]  }
0xbd: {  	v17 =	vld [tilespmem:s17+$0xFFFFFF30]  }
0xbe: {  	v18 =	vld [tilespmem:s17+$0xFFFFFFA0]  }
0xbf: {  	v19 =	vld [tilespmem:s17+$0xFFFFFFB0]  }
0xc0: {  	v20 =	vimm.f32 $0.0e+00;
	v21 =	vld [tilespmem:s17+$0xFFFFFFC0]  }
0xc1: {  	v22 =	vld [tilespmem:s17+$0xFFFFFFD0];
	v14 =	vadd.f32 v14, v20;
	v15 =	vadd.f32 v15, v20  }
0xc2: {  	v24 =	vld [tilespmem:s17+$0xFFFFFF50];
	v16 =	vadd.f32 v16, v20;
	v17 =	vadd.f32 v17, v20  }
0xc3: {  	v23 =	vld [tilespmem:s17+$0xFFFFFF40];
	v12 =	vadd.f32 v12, v14;
	v13 =	vadd.f32 v13, v15  }
0xc4: {  	v14 =	vld [tilespmem:s17+$0xFFFFFF60];
	v15 =	vadd.f32 v18, v16;
	v16 =	vadd.f32 v19, v17  }
0xc5: {  	v17 =	vld [tilespmem:s17+$0xFFFFFF70];
	v7 =	vadd.f32 v7, v12;
	v12 =	vadd.f32 v8, v13  }
0xc6: {  	v8 =	vld [tilespmem:s17+$0xFFFFFFE0];
	v13 =	vadd.f32 v9, v15;
	v15 =	vadd.f32 v10, v16  }
0xc7: {  	v10 =	vld [tilespmem:s17+$0xFFFFFFF0];
	v16 =	vadd.f32 v24, v20;
	v7 =	vadd.f32 v4, v7  }
0xc8: {  	v9 =	vld [tilespmem:s17+$0x60];
	v5 =	vadd.f32 v5, v12;
	v6 =	vadd.f32 v6, v13  }
0xc9: {  	v4 =	vadd.f32 v11, v15;
	v13 =	vadd.f32 v23, v20;
	v12 =	vld [tilespmem:s17+$0x70]  }
0xca: {  	v11 =	vld [tilespmem:s17+$0xE0];
	v15 =	vadd.f32 v14, v20;
	v14 =	vadd.f32 v17, v20  }
0xcb: {  	s15 =	simm.s32 $0x0;
	s16 =	simm.s32 $0x7900;
	v16 =	vadd.f32 v22, v16;
	v17 =	vadd.f32 v21, v13;
	v13 =	vld [tilespmem:s17+$0xF0]  }
.LBB2_10:
0xcc: {  	v18 =	vld [tilespmem:s16+$0x80];
	v8 =	vadd.f32 v8, v15;
	v10 =	vadd.f32 v10, v14  }
0xcd: {  	v14 =	vld [tilespmem:s16+$0x90];
	v2 =	vadd.f32 v2, v17;
	v3 =	vadd.f32 v3, v16  }
0xce: {  	v15 =	vld [tilespmem:s16+$0xA0];
	v8 =	vadd.f32 v9, v8;
	v9 =	vadd.f32 v12, v10  }
0xcf: {  	v12 =	vld [tilespmem:s16+$0xB0];
	v16 =	vadd.f32 v0, v2;
	v17 =	vadd.f32 v1, v3  }
0xd0: {  	v0 =	vld [tilespmem:s16+$0xC0];
	v11 =	vadd.f32 v11, v8;
	v13 =	vadd.f32 v13, v9  }
0xd1: {  	v1 =	vld [tilespmem:s16+$0xD0]  }
0xd2: {  	v8 =	vld [tilespmem:s16+$0x0]  }
0xd3: {  	v9 =	vld [tilespmem:s16+$0x10]  }
0xd4: {  	v10 =	vld [tilespmem:s16+$0x20]  }
0xd5: {  	v19 =	vld [tilespmem:s16+$0x30]  }
0xd6: {  	v2 =	vld [tilespmem:s16+$0x40]  }
0xd7: {  	v3 =	vld [tilespmem:s16+$0x50]  }
0xd8: {  	v20 =	vld [tilespmem:s16+$0xFFFFFF80]  }
0xd9: {  	v21 =	vld [tilespmem:s16+$0xFFFFFF90]  }
0xda: {  	v22 =	vld [tilespmem:s16+$0xFFFFFF00]  }
0xdb: {  	v23 =	vld [tilespmem:s16+$0xFFFFFF10]  }
0xdc: {  	v24 =	vld [tilespmem:s16+$0xFFFFFF20]  }
0xdd: {  	v25 =	vld [tilespmem:s16+$0xFFFFFF30]  }
0xde: {  	v26 =	vld [tilespmem:s16+$0xFFFFFFA0]  }
0xdf: {  	v27 =	vld [tilespmem:s16+$0xFFFFFFB0]  }
0xe0: {  	v28 =	vld [tilespmem:s16+$0xFFFFFFC0]  }
0xe1: {  	v7 =	vadd.f32 v22, v7;
	v5 =	vadd.f32 v23, v5;
	v22 =	vld [tilespmem:s16+$0xFFFFFFD0]  }
0xe2: {  	v6 =	vadd.f32 v24, v6;
	v4 =	vadd.f32 v25, v4;
	v23 =	vld [tilespmem:s16+$0xFFFFFF40]  }
0xe3: {  	v7 =	vadd.f32 v20, v7;
	v5 =	vadd.f32 v21, v5;
	v24 =	vld [tilespmem:s16+$0xFFFFFF50]  }
0xe4: {  	v6 =	vadd.f32 v26, v6;
	v20 =	vld [tilespmem:s16+$0xFFFFFF60];
	v4 =	vadd.f32 v27, v4  }
0xe5: {  	s15 =	sadd.s32 $0x4, s15;
	v7 =	vadd.f32 v8, v7;
	v5 =	vadd.f32 v9, v5;
	v21 =	vld [tilespmem:s16+$0xFFFFFF70]  }
0xe6: {  	p1 =	slt.u32 s15, $0x60;
	v6 =	vadd.f32 v10, v6;
	v8 =	vld [tilespmem:s16+$0xFFFFFFE0];
	v4 =	vadd.f32 v19, v4  }
.Ltmp3:
0xe7: {  	v7 =	vadd.f32 v18, v7;
	v5 =	vadd.f32 v14, v5;
	v10 =	vld [tilespmem:s16+$0xFFFFFFF0];
	(pc) =	sbr.rel @p1 .LBB2_10-.Ltmp3, $4  }
0xe8: {  	v6 =	vadd.f32 v15, v6;
	v9 =	vld [tilespmem:s16+$0x60];
	v4 =	vadd.f32 v12, v4  }
0xe9: {  	v16 =	vadd.f32 v23, v16;
	v18 =	vadd.f32 v24, v17;
	v12 =	vld [tilespmem:s16+$0x70]  }
0xea: {  	v15 =	vadd.f32 v20, v11;
	v14 =	vadd.f32 v21, v13;
	v11 =	vld [tilespmem:s16+$0xE0]  }
0xeb: {  	v17 =	vadd.f32 v28, v16;
	v16 =	vadd.f32 v22, v18;
	v13 =	vld [tilespmem:s16+$0xF0];
	s16 =	sadd.s32 $0x200, s16  }
0xec: {  	_ = 	snop  }
0xed: {  	v8 =	vadd.f32 v8, v15;
	v2 =	vadd.f32 v2, v17  }
0xee: {  	v10 =	vadd.f32 v10, v14;
	v3 =	vadd.f32 v3, v16  }
0xef: {  	v8 =	vadd.f32 v9, v8;
	v0 =	vadd.f32 v0, v2  }
0xf0: {  	v2 =	vadd.f32 v12, v10;
	v1 =	vadd.f32 v1, v3  }
0xf1: {  	v3 =	vadd.f32 v11, v8;
	v0 =	vadd.f32 v0, v7  }
0xf2: {  	v2 =	vadd.f32 v13, v2;
	v1 =	vadd.f32 v1, v5  }
0xf3: {  	v3 =	vadd.f32 v3, v6;
	v0 =	vmul.f32 $4.999999890e-03, v0  }
0xf4: {  	v1 =	vmul.f32 $4.999999890e-03, v1;
	v2 =	vadd.f32 v2, v4  }
0xf5: {  	[tilespmem:s13+$0x3440] =	vst v0;
	v0 =	vmul.f32 $4.999999890e-03, v3  }
0xf6: {  	[tilespmem:s13+$0x3450] =	vst v1;
	v1 =	vmul.f32 $4.999999890e-03, v2  }
0xf7: {  	[tilespmem:s13+$0x3460] =	vst v0  }
0xf8: {  	[tilespmem:s13+$0x3470] =	vst v1  }
0xf9: {  	_ =	swait.ge [sflag:s30], $0x2000  }
0xfa: {  	[sflag:s30] =	ssyncset.done $0x0  }
0xfb: {  	[sflag:s30] =	ssyncadd.s32 $0xFFFFE000  }
0xfc: {  	_ =	swait.ge [sflag:s31], $0x1200  }
0xfd: {  	s15 =	sadd.s32 @!p0 $0x4E0, s14;
	[sflag:s31] =	ssyncset.done $0x0  }
0xfe: {  	s16 =	simm.s32 @!p0 $0x80;
	s17 =	simm.s32 @!p0 $0xA800;
	[sflag:s31] =	ssyncadd.s32 $0xFFFFEE00  }
0xff: {  	[tilespmem:s17], [sflag:$0x5] =	stream.indirect.gather @!p0 [hbm4b:s5+s16], $0x40, s15, s16, $0xb8;
	[tilespmem:$0x10C00] =	vst v63  }
0x100: {  	s15 =	sadd.s32 @!p0 $0x560, s14;
	s16 =	simm.s32 @!p0 $0x48;
	s17 =	simm.s32 @!p0 $0xC800  }
0x101: {  	[tilespmem:s17], [sflag:$0x6] =	stream.indirect.gather @!p0 [hbm4b:s5+s16], $0x40, s15, s16, $0xb8;
	[tilespmem:$0x10C00] =	vst v63  }
0x102: {  	s17 =	simm.s32 $0xA900  }
0x103: {  	v4 =	vld [tilespmem:s17+$0x80]  }
0x104: {  	v5 =	vld [tilespmem:s17+$0x90]  }
0x105: {  	v6 =	vld [tilespmem:s17+$0xA0]  }
0x106: {  	v11 =	vld [tilespmem:s17+$0xB0]  }
0x107: {  	v0 =	vld [tilespmem:s17+$0xC0]  }
0x108: {  	v1 =	vld [tilespmem:s17+$0xD0]  }
0x109: {  	v7 =	vld [tilespmem:s17+$0x0]  }
0x10a: {  	v8 =	vld [tilespmem:s17+$0x10]  }
0x10b: {  	v9 =	vld [tilespmem:s17+$0x20]  }
0x10c: {  	v10 =	vld [tilespmem:s17+$0x30]  }
0x10d: {  	v2 =	vld [tilespmem:s17+$0x40]  }
0x10e: {  	v3 =	vld [tilespmem:s17+$0x50]  }
0x10f: {  	v12 =	vld [tilespmem:s17+$0xFFFFFF80]  }
0x110: {  	v13 =	vld [tilespmem:s17+$0xFFFFFF90]  }
0x111: {  	v14 =	vld [tilespmem:s17+$0xFFFFFF00]  }
0x112: {  	v15 =	vld [tilespmem:s17+$0xFFFFFF10]  }
0x113: {  	v16 =	vld [tilespmem:s17+$0xFFFFFF20]  }
0x114: {  	v17 =	vld [tilespmem:s17+$0xFFFFFF30]  }
0x115: {  	v18 =	vld [tilespmem:s17+$0xFFFFFFA0]  }
0x116: {  	v19 =	vld [tilespmem:s17+$0xFFFFFFB0]  }
0x117: {  	v20 =	vimm.f32 $0.0e+00;
	v21 =	vld [tilespmem:s17+$0xFFFFFFC0]  }
0x118: {  	v22 =	vld [tilespmem:s17+$0xFFFFFFD0];
	v14 =	vadd.f32 v14, v20;
	v15 =	vadd.f32 v15, v20  }
0x119: {  	v24 =	vld [tilespmem:s17+$0xFFFFFF50];
	v16 =	vadd.f32 v16, v20;
	v17 =	vadd.f32 v17, v20  }
0x11a: {  	v23 =	vld [tilespmem:s17+$0xFFFFFF40];
	v12 =	vadd.f32 v12, v14;
	v13 =	vadd.f32 v13, v15  }
0x11b: {  	v14 =	vld [tilespmem:s17+$0xFFFFFF60];
	v15 =	vadd.f32 v18, v16;
	v16 =	vadd.f32 v19, v17  }
0x11c: {  	v17 =	vld [tilespmem:s17+$0xFFFFFF70];
	v7 =	vadd.f32 v7, v12;
	v12 =	vadd.f32 v8, v13  }
0x11d: {  	v8 =	vld [tilespmem:s17+$0xFFFFFFE0];
	v13 =	vadd.f32 v9, v15;
	v15 =	vadd.f32 v10, v16  }
0x11e: {  	v10 =	vld [tilespmem:s17+$0xFFFFFFF0];
	v16 =	vadd.f32 v24, v20;
	v7 =	vadd.f32 v4, v7  }
0x11f: {  	v9 =	vld [tilespmem:s17+$0x60];
	v5 =	vadd.f32 v5, v12;
	v6 =	vadd.f32 v6, v13  }
0x120: {  	v4 =	vadd.f32 v11, v15;
	v13 =	vadd.f32 v23, v20;
	v12 =	vld [tilespmem:s17+$0x70]  }
0x121: {  	v11 =	vld [tilespmem:s17+$0xE0];
	v15 =	vadd.f32 v14, v20;
	v14 =	vadd.f32 v17, v20  }
0x122: {  	s15 =	simm.s32 $0x0;
	s16 =	simm.s32 $0xAB00;
	v16 =	vadd.f32 v22, v16;
	v17 =	vadd.f32 v21, v13;
	v13 =	vld [tilespmem:s17+$0xF0]  }
.LBB2_12:
0x123: {  	v18 =	vld [tilespmem:s16+$0x80];
	v8 =	vadd.f32 v8, v15;
	v10 =	vadd.f32 v10, v14  }
0x124: {  	v14 =	vld [tilespmem:s16+$0x90];
	v2 =	vadd.f32 v2, v17;
	v3 =	vadd.f32 v3, v16  }
0x125: {  	v15 =	vld [tilespmem:s16+$0xA0];
	v8 =	vadd.f32 v9, v8;
	v9 =	vadd.f32 v12, v10  }
0x126: {  	v12 =	vld [tilespmem:s16+$0xB0];
	v16 =	vadd.f32 v0, v2;
	v17 =	vadd.f32 v1, v3  }
0x127: {  	v0 =	vld [tilespmem:s16+$0xC0];
	v11 =	vadd.f32 v11, v8;
	v13 =	vadd.f32 v13, v9  }
0x128: {  	v1 =	vld [tilespmem:s16+$0xD0]  }
0x129: {  	v8 =	vld [tilespmem:s16+$0x0]  }
0x12a: {  	v9 =	vld [tilespmem:s16+$0x10]  }
0x12b: {  	v10 =	vld [tilespmem:s16+$0x20]  }
0x12c: {  	v19 =	vld [tilespmem:s16+$0x30]  }
0x12d: {  	v2 =	vld [tilespmem:s16+$0x40]  }
0x12e: {  	v3 =	vld [tilespmem:s16+$0x50]  }
0x12f: {  	v20 =	vld [tilespmem:s16+$0xFFFFFF80]  }
0x130: {  	v21 =	vld [tilespmem:s16+$0xFFFFFF90]  }
0x131: {  	v22 =	vld [tilespmem:s16+$0xFFFFFF00]  }
0x132: {  	v23 =	vld [tilespmem:s16+$0xFFFFFF10]  }
0x133: {  	v24 =	vld [tilespmem:s16+$0xFFFFFF20]  }
0x134: {  	v25 =	vld [tilespmem:s16+$0xFFFFFF30]  }
0x135: {  	v26 =	vld [tilespmem:s16+$0xFFFFFFA0]  }
0x136: {  	v27 =	vld [tilespmem:s16+$0xFFFFFFB0]  }
0x137: {  	v28 =	vld [tilespmem:s16+$0xFFFFFFC0]  }
0x138: {  	v7 =	vadd.f32 v22, v7;
	v5 =	vadd.f32 v23, v5;
	v22 =	vld [tilespmem:s16+$0xFFFFFFD0]  }
0x139: {  	v6 =	vadd.f32 v24, v6;
	v4 =	vadd.f32 v25, v4;
	v23 =	vld [tilespmem:s16+$0xFFFFFF40]  }
0x13a: {  	v7 =	vadd.f32 v20, v7;
	v5 =	vadd.f32 v21, v5;
	v24 =	vld [tilespmem:s16+$0xFFFFFF50]  }
0x13b: {  	v6 =	vadd.f32 v26, v6;
	v20 =	vld [tilespmem:s16+$0xFFFFFF60];
	v4 =	vadd.f32 v27, v4  }
0x13c: {  	s15 =	sadd.s32 $0x4, s15;
	v7 =	vadd.f32 v8, v7;
	v5 =	vadd.f32 v9, v5;
	v21 =	vld [tilespmem:s16+$0xFFFFFF70]  }
0x13d: {  	p1 =	slt.u32 s15, $0x60;
	v6 =	vadd.f32 v10, v6;
	v8 =	vld [tilespmem:s16+$0xFFFFFFE0];
	v4 =	vadd.f32 v19, v4  }
.Ltmp4:
0x13e: {  	v7 =	vadd.f32 v18, v7;
	v5 =	vadd.f32 v14, v5;
	v10 =	vld [tilespmem:s16+$0xFFFFFFF0];
	(pc) =	sbr.rel @p1 .LBB2_12-.Ltmp4, $4  }
0x13f: {  	v6 =	vadd.f32 v15, v6;
	v9 =	vld [tilespmem:s16+$0x60];
	v4 =	vadd.f32 v12, v4  }
0x140: {  	v16 =	vadd.f32 v23, v16;
	v18 =	vadd.f32 v24, v17;
	v12 =	vld [tilespmem:s16+$0x70]  }
0x141: {  	v15 =	vadd.f32 v20, v11;
	v14 =	vadd.f32 v21, v13;
	v11 =	vld [tilespmem:s16+$0xE0]  }
0x142: {  	v17 =	vadd.f32 v28, v16;
	v16 =	vadd.f32 v22, v18;
	v13 =	vld [tilespmem:s16+$0xF0];
	s16 =	sadd.s32 $0x200, s16  }
0x143: {  	_ = 	snop  }
0x144: {  	v8 =	vadd.f32 v8, v15;
	v2 =	vadd.f32 v2, v17  }
0x145: {  	v10 =	vadd.f32 v10, v14;
	v3 =	vadd.f32 v3, v16  }
0x146: {  	v8 =	vadd.f32 v9, v8;
	v0 =	vadd.f32 v0, v2  }
0x147: {  	v2 =	vadd.f32 v12, v10;
	v1 =	vadd.f32 v1, v3  }
0x148: {  	v3 =	vadd.f32 v11, v8;
	v0 =	vadd.f32 v0, v7  }
0x149: {  	v2 =	vadd.f32 v13, v2;
	v1 =	vadd.f32 v1, v5  }
0x14a: {  	v3 =	vadd.f32 v3, v6;
	v0 =	vmul.f32 $4.999999890e-03, v0  }
0x14b: {  	v1 =	vmul.f32 $4.999999890e-03, v1;
	v2 =	vadd.f32 v2, v4  }
0x14c: {  	[tilespmem:s13+$0x3480] =	vst v0;
	v0 =	vmul.f32 $4.999999890e-03, v3  }
0x14d: {  	[tilespmem:s13+$0x3490] =	vst v1;
	v1 =	vmul.f32 $4.999999890e-03, v2  }
0x14e: {  	[tilespmem:s13+$0x34A0] =	vst v0  }
0x14f: {  	[tilespmem:s13+$0x34B0] =	vst v1  }
0x150: {  	_ =	swait.ge [sflag:s0], $0x2000  }
0x151: {  	[sflag:s0] =	ssyncset.done $0x0  }
0x152: {  	[sflag:s0] =	ssyncadd.s32 $0xFFFFE000  }
0x153: {  	_ =	swait.ge [sflag:s3], $0x1200  }
0x154: {  	s15 =	sadd.s32 @!p0 $0x5B0, s14;
	s16 =	simm.s32 @!p0 $0x80;
	[sflag:s3] =	ssyncset.done $0x0  }
0x155: {  	s17 =	simm.s32 @!p0 $0xDA00;
	s14 =	sadd.s32 @!p0 $0x630, s14;
	[sflag:s3] =	ssyncadd.s32 $0xFFFFEE00  }
0x156: {  	[tilespmem:s17], [sflag:$0x7] =	stream.indirect.gather @!p0 [hbm4b:s5+s16], $0x40, s15, s16, $0xb8;
	[tilespmem:$0x10C00] =	vst v63  }
0x157: {  	s15 =	simm.s32 @!p0 $0x48;
	s16 =	simm.s32 @!p0 $0xFA00;
	s17 =	simm.s32 $0xDB00  }
0x158: {  	[tilespmem:s16], [sflag:$0x8] =	stream.indirect.gather @!p0 [hbm4b:s5+s15], $0x40, s14, s15, $0xb8;
	[tilespmem:$0x10C00] =	vst v63  }
0x159: {  	v4 =	vld [tilespmem:s17+$0x80]  }
0x15a: {  	v5 =	vld [tilespmem:s17+$0x90]  }
0x15b: {  	v6 =	vld [tilespmem:s17+$0xA0]  }
0x15c: {  	v11 =	vld [tilespmem:s17+$0xB0]  }
0x15d: {  	v0 =	vld [tilespmem:s17+$0xC0]  }
0x15e: {  	v1 =	vld [tilespmem:s17+$0xD0]  }
0x15f: {  	v7 =	vld [tilespmem:s17+$0x0]  }
0x160: {  	v8 =	vld [tilespmem:s17+$0x10]  }
0x161: {  	v9 =	vld [tilespmem:s17+$0x20]  }
0x162: {  	v10 =	vld [tilespmem:s17+$0x30]  }
0x163: {  	v2 =	vld [tilespmem:s17+$0x40]  }
0x164: {  	v3 =	vld [tilespmem:s17+$0x50]  }
0x165: {  	v12 =	vld [tilespmem:s17+$0xFFFFFF80]  }
0x166: {  	v13 =	vld [tilespmem:s17+$0xFFFFFF90]  }
0x167: {  	v14 =	vld [tilespmem:s17+$0xFFFFFF00]  }
0x168: {  	v15 =	vld [tilespmem:s17+$0xFFFFFF10]  }
0x169: {  	v16 =	vld [tilespmem:s17+$0xFFFFFF20]  }
0x16a: {  	v17 =	vld [tilespmem:s17+$0xFFFFFF30]  }
0x16b: {  	v18 =	vld [tilespmem:s17+$0xFFFFFFA0]  }
0x16c: {  	v19 =	vld [tilespmem:s17+$0xFFFFFFB0]  }
0x16d: {  	v20 =	vimm.f32 $0.0e+00;
	v21 =	vld [tilespmem:s17+$0xFFFFFFC0]  }
0x16e: {  	v22 =	vld [tilespmem:s17+$0xFFFFFFD0];
	v14 =	vadd.f32 v14, v20;
	v15 =	vadd.f32 v15, v20  }
0x16f: {  	v24 =	vld [tilespmem:s17+$0xFFFFFF50];
	v16 =	vadd.f32 v16, v20;
	v17 =	vadd.f32 v17, v20  }
0x170: {  	v23 =	vld [tilespmem:s17+$0xFFFFFF40];
	v12 =	vadd.f32 v12, v14;
	v13 =	vadd.f32 v13, v15  }
0x171: {  	v14 =	vld [tilespmem:s17+$0xFFFFFF60];
	v15 =	vadd.f32 v18, v16;
	v16 =	vadd.f32 v19, v17  }
0x172: {  	v17 =	vld [tilespmem:s17+$0xFFFFFF70];
	v7 =	vadd.f32 v7, v12;
	v12 =	vadd.f32 v8, v13  }
0x173: {  	v8 =	vld [tilespmem:s17+$0xFFFFFFE0];
	v13 =	vadd.f32 v9, v15;
	v15 =	vadd.f32 v10, v16  }
0x174: {  	v10 =	vld [tilespmem:s17+$0xFFFFFFF0];
	v16 =	vadd.f32 v24, v20;
	v7 =	vadd.f32 v4, v7  }
0x175: {  	v9 =	vld [tilespmem:s17+$0x60];
	v5 =	vadd.f32 v5, v12;
	v6 =	vadd.f32 v6, v13  }
0x176: {  	v4 =	vadd.f32 v11, v15;
	v13 =	vadd.f32 v23, v20;
	v12 =	vld [tilespmem:s17+$0x70]  }
0x177: {  	v11 =	vld [tilespmem:s17+$0xE0];
	v15 =	vadd.f32 v14, v20;
	v14 =	vadd.f32 v17, v20  }
0x178: {  	s14 =	simm.s32 $0x0;
	s15 =	simm.s32 $0xDD00;
	v16 =	vadd.f32 v22, v16;
	v17 =	vadd.f32 v21, v13;
	v13 =	vld [tilespmem:s17+$0xF0]  }
.LBB2_14:
0x179: {  	v18 =	vld [tilespmem:s15+$0x80];
	v8 =	vadd.f32 v8, v15;
	v10 =	vadd.f32 v10, v14  }
0x17a: {  	v14 =	vld [tilespmem:s15+$0x90];
	v2 =	vadd.f32 v2, v17;
	v3 =	vadd.f32 v3, v16  }
0x17b: {  	v15 =	vld [tilespmem:s15+$0xA0];
	v8 =	vadd.f32 v9, v8;
	v9 =	vadd.f32 v12, v10  }
0x17c: {  	v12 =	vld [tilespmem:s15+$0xB0];
	v16 =	vadd.f32 v0, v2;
	v17 =	vadd.f32 v1, v3  }
0x17d: {  	v0 =	vld [tilespmem:s15+$0xC0];
	v11 =	vadd.f32 v11, v8;
	v13 =	vadd.f32 v13, v9  }
0x17e: {  	v1 =	vld [tilespmem:s15+$0xD0]  }
0x17f: {  	v8 =	vld [tilespmem:s15+$0x0]  }
0x180: {  	v9 =	vld [tilespmem:s15+$0x10]  }
0x181: {  	v10 =	vld [tilespmem:s15+$0x20]  }
0x182: {  	v19 =	vld [tilespmem:s15+$0x30]  }
0x183: {  	v2 =	vld [tilespmem:s15+$0x40]  }
0x184: {  	v3 =	vld [tilespmem:s15+$0x50]  }
0x185: {  	v20 =	vld [tilespmem:s15+$0xFFFFFF80]  }
0x186: {  	v21 =	vld [tilespmem:s15+$0xFFFFFF90]  }
0x187: {  	v22 =	vld [tilespmem:s15+$0xFFFFFF00]  }
0x188: {  	v23 =	vld [tilespmem:s15+$0xFFFFFF10]  }
0x189: {  	v24 =	vld [tilespmem:s15+$0xFFFFFF20]  }
0x18a: {  	v25 =	vld [tilespmem:s15+$0xFFFFFF30]  }
0x18b: {  	v26 =	vld [tilespmem:s15+$0xFFFFFFA0]  }
0x18c: {  	v27 =	vld [tilespmem:s15+$0xFFFFFFB0]  }
0x18d: {  	v28 =	vld [tilespmem:s15+$0xFFFFFFC0]  }
0x18e: {  	v7 =	vadd.f32 v22, v7;
	v5 =	vadd.f32 v23, v5;
	v22 =	vld [tilespmem:s15+$0xFFFFFFD0]  }
0x18f: {  	v6 =	vadd.f32 v24, v6;
	v4 =	vadd.f32 v25, v4;
	v23 =	vld [tilespmem:s15+$0xFFFFFF40]  }
0x190: {  	v7 =	vadd.f32 v20, v7;
	v5 =	vadd.f32 v21, v5;
	v24 =	vld [tilespmem:s15+$0xFFFFFF50]  }
0x191: {  	v6 =	vadd.f32 v26, v6;
	v20 =	vld [tilespmem:s15+$0xFFFFFF60];
	v4 =	vadd.f32 v27, v4  }
0x192: {  	s14 =	sadd.s32 $0x4, s14;
	v7 =	vadd.f32 v8, v7;
	v5 =	vadd.f32 v9, v5;
	v21 =	vld [tilespmem:s15+$0xFFFFFF70]  }
0x193: {  	p0 =	slt.u32 s14, $0x60;
	v6 =	vadd.f32 v10, v6;
	v8 =	vld [tilespmem:s15+$0xFFFFFFE0];
	v4 =	vadd.f32 v19, v4  }
.Ltmp5:
0x194: {  	v7 =	vadd.f32 v18, v7;
	v5 =	vadd.f32 v14, v5;
	v10 =	vld [tilespmem:s15+$0xFFFFFFF0];
	(pc) =	sbr.rel @p0 .LBB2_14-.Ltmp5, $4  }
0x195: {  	v6 =	vadd.f32 v15, v6;
	v9 =	vld [tilespmem:s15+$0x60];
	v4 =	vadd.f32 v12, v4  }
0x196: {  	v16 =	vadd.f32 v23, v16;
	v18 =	vadd.f32 v24, v17;
	v12 =	vld [tilespmem:s15+$0x70]  }
0x197: {  	v15 =	vadd.f32 v20, v11;
	v14 =	vadd.f32 v21, v13;
	v11 =	vld [tilespmem:s15+$0xE0]  }
0x198: {  	v17 =	vadd.f32 v28, v16;
	v16 =	vadd.f32 v22, v18;
	v13 =	vld [tilespmem:s15+$0xF0];
	s15 =	sadd.s32 $0x200, s15  }
0x199: {  	_ = 	snop  }
0x19a: {  	v8 =	vadd.f32 v8, v15;
	v2 =	vadd.f32 v2, v17  }
0x19b: {  	v10 =	vadd.f32 v10, v14;
	v3 =	vadd.f32 v3, v16  }
0x19c: {  	v8 =	vadd.f32 v9, v8;
	v0 =	vadd.f32 v0, v2  }
0x19d: {  	v60 =	vadd.f32 v12, v10;
	v1 =	vadd.f32 v1, v3  }
0x19e: {  	v61 =	vadd.f32 v11, v8;
	v0 =	vadd.f32 v0, v7  }
0x19f: {  	s12 =	sadd.s32 $0x1, s12;
	v2 =	vadd.f32 v13, v60;
	v1 =	vadd.f32 v1, v5  }
0x1a0: {  	p0 =	sne.s32 s12, $0x10;
	v3 =	vadd.f32 v61, v6;
	v0 =	vmul.f32 $4.999999890e-03, v0  }
.Ltmp6:
0x1a1: {  	v2 =	vadd.f32 v2, v4;
	v1 =	vmul.f32 $4.999999890e-03, v1;
	(pc) =	sbr.rel @p0 .LBB2_7-.Ltmp6, $4  }
0x1a2: {  	v62 =	vmul.f32 $4.999999890e-03, v3;
	[tilespmem:s13+$0x34C0] =	vst v0  }
0x1a3: {  	v63 =	vmul.f32 $4.999999890e-03, v2;
	[tilespmem:s13+$0x34D0] =	vst v1  }
0x1a4: {  	[tilespmem:s13+$0x34E0] =	vst v62  }
0x1a5: {  	[tilespmem:s13+$0x34F0] =	vst v63  }
0x1a6: {  	s1 =	sadd.s32 $0x1, s1  }
0x1a7: {  	s10 =	sshll.u32 s10, $0x3;
	s12 =	rddreg [dreg:$0x1];
	p0 =	sne.s32 s1, $0x8  }
.Ltmp7:
0x1a8: {  	s10 =	sadd.s32 s12, s10;
	(pc) =	sbr.rel @p0 .LBB2_2-.Ltmp7, $4  }
0x1a9: {  	[hbm4b:s10+s2] =	stream.linear.scatter [tilespmem:s7], [sflag:$0x9], $0x1000, $0x38;
	[tilespmem:$0x10C00] =	vst v63  }
0x1aa: {  	_ =	swait.ge [sflag:s8], $0x1000  }
0x1ab: {  	[sflag:s8] =	ssyncset.done $0x0  }
0x1ac: {  	[sflag:s8] =	ssyncadd.s32 $0xFFFFF000  }
0x1ad: {  	s10 =	rddreg [dreg:$0x4]  }
0x1ae: {  	s1 =	rddreg [dreg:$0x3];
	s10 =	sadd.s32 $0x1, s10  }
0x1af: {  	p0 =	sne.s32 s10, s1  }
.Ltmp8:
0x1b0: {  	_ = 	snop;
	(pc) =	sbr.rel @p0 .LBB2_1-.Ltmp8, $1  }
0x1b1: {  	_ =	sdelay $0x3  }
0x1b2: {  	_ =	sfence.sel $0x180000  }
0x1b3: {  	[bflag:$0x0] =	sbarrier.arrive $0xFFFF  }
0x1b4: {  	_ =	strace $0x90000047  }
0x1b5: {  	s0 =	stileid.u32;
	[bflag:$0x2] =	sbarrier.arrive $0xFFFF  }
0x1b6: {  	p0 =	sne.s32 s0, $0x0;
	s0 =	rddreg [dreg:$0x2]  }
0x1b7: {  	s0 =	sadd.s32 @!p0 $0x100000, s0  }
0x1b8: {  	[sflag:s0] =	ssyncadd.tile.s32 @!p0 $0x1;
	_ =	shalt  }
.Lfunc_end2:
_tile_overlayer_lowered:
.L_overlay_start_2:
0x1b9: {  	(tag) =	ssettag $0x2  }
0x1ba: {  	s0 =	rddreg [dreg:$0x0];
	s2 =	stileid.u32  }
0x1bb: {  	s1 =	rddreg [dreg:$0x1];
	p0 =	sne.s32 s2, $0x0  }
0x1bc: {  	s3 =	rddreg [dreg:$0x2];
	[bflag:$0x3] =	sbarrier.arrive $0xFFFF;
	s2 =	simm.s32 @!p0 $0x1C09  }
0x1bd: {  	[timem:s3], [sflag:s2] =	dma.local @!p0 [hbm:s0], s1  }
0x1be: {  	s0 =	simm.s32 @!p0 $0x9  }
0x1bf: {  	_ =	swait.ge @!p0 [sflag:s0], s1  }
0x1c0: {  	s1 =	ssub.s32 @!p0 $0x0, s1;
	[sflag:s0] =	ssyncset.done @!p0 $0x0  }
0x1c1: {  	[sflag:s0] =	ssyncadd.s32 @!p0 s1  }
0x1c2: {  	[bflag:$0x3] =	sbarrier.arrive $0xFFFF  }
0x1c3: {  	_ =	shalt  }

</sc_bundles>
